<compile_context>
chip_gen: v7x
topology: tpu7x:2x2x1
jax: 0.10.2.dev20260603
libtpu: 0.0.44.dev20260713+nightly
codegen_flags: <defaults>
</compile_context>

<pallas_src>
import functools

import jax
import jax.numpy as jnp
from jax import lax
from jax.experimental import pallas as pl
from jax.experimental.pallas import tpu as pltpu
from jax.experimental.pallas import tpu_sc as plsc

D = 64
CHUNK = 128


@functools.lru_cache(maxsize=None)
def _make(hist, nbc, nw, nchw):
    mesh = plsc.VectorSubcoreMesh(core_axis_name="c", subcore_axis_name="s")
    nc = plsc.get_sparse_core_info().num_cores
    per_w = nchw * CHUNK

    @functools.partial(
        pl.kernel,
        mesh=mesh,
        compiler_params=pltpu.CompilerParams(
            use_tc_tiling_on_sc=False, needs_layout_passes=False
        ),
        out_type=jax.ShapeDtypeStruct((hist, D // 8, nbc, 8, CHUNK), jnp.float32),
        scratch_types=[
            pltpu.VMEM((per_w,), jnp.int32),
            pltpu.VMEM((CHUNK, D), jnp.float32),
            pltpu.VMEM((CHUNK, D), jnp.float32),
            pltpu.VMEM((D, CHUNK + 1), jnp.float32),
            pltpu.VMEM((D, CHUNK + 1), jnp.float32),
            pltpu.SemaphoreType.DMA,
            pltpu.SemaphoreType.DMA,
            pltpu.SemaphoreType.DMA,
            pltpu.SemaphoreType.DMA,
        ],
    )
    def k(idx_hbm, table_hbm, out_hbm, idx_v, r0, r1, t0, t1, gs0, gs1, ws0, ws1):
        wid = lax.axis_index("s") * nc + lax.axis_index("c")
        chbase = wid * nchw
        pltpu.sync_copy(idx_hbm.at[pl.ds(chbase * CHUNK, per_w)], idx_v)

        bufs = ((r0, t0, gs0, ws0), (r1, t1, gs1, ws1))
        lane = lax.iota(jnp.int32, 16)

        def fire(j, rb, gs):
            pltpu.make_async_copy(
                table_hbm.at[idx_v.at[pl.ds(j * CHUNK, CHUNK)]], rb, gs
            ).start()

        dvecs = [lane + d0 for d0 in range(0, D, 16)]

        def transpose(rb, tb):
            @plsc.parallel_loop(0, CHUNK)
            def tbody(c):
                cv = jnp.full((16,), 0, jnp.int32) + c
                for kb in range(D // 16):
                    vals = rb[c, pl.ds(16 * kb, 16)]
                    plsc.store_scatter(tb, [dvecs[kb], cv], vals)

        def writes_start(t, tc, tb, ws):
            for tr in range(D // 8):
                pltpu.make_async_copy(
                    tb.at[pl.ds(8 * tr, 8), pl.ds(0, CHUNK)],
                    out_hbm.at[t, tr, tc],
                    ws,
                ).start()

        def writes_drain(tb, ws):
            for tr in range(D // 8):
                pltpu.make_async_copy(
                    tb.at[pl.ds(8 * tr, 8), pl.ds(0, CHUNK)],
                    out_hbm.at[0, tr, 0],
                    ws,
                ).wait()

        fire(0, r0, gs0)

        def body(i, _):
            for b in range(2):
                j = i * 2 + b
                rb, tb, gs, ws = bufs[b]
                ro, _, go, _ = bufs[1 - b]

                @pl.when(j + 1 < nchw)
                def _():
                    fire(j + 1, ro, go)

                pltpu.make_async_copy(
                    table_hbm.at[idx_v.at[pl.ds(0, CHUNK)]], rb, gs
                ).wait()

                @pl.when(j >= 2)
                def _():
                    writes_drain(tb, ws)

                transpose(rb, tb)
                plsc.subcore_barrier()
                ch = chbase + j
                t = ch // nbc
                tc = ch % nbc
                writes_start(t, tc, tb, ws)
            return 0

        lax.fori_loop(0, nchw // 2, body, 0)
        writes_drain(t0, ws0)
        writes_drain(t1, ws1)

    return k


def kernel(token_ids, weight):
    batch, hist = token_ids.shape
    total = batch * hist
    nw = 32
    assert batch % CHUNK == 0 and D % 8 == 0
    nbc = batch // CHUNK
    nch = hist * nbc
    assert nch % (2 * nw) == 0
    nchw = nch // nw
    idx = token_ids.T.reshape(total).astype(jnp.int32)
    out = _make(hist, nbc, nw, nchw)(idx, weight)
    return out.transpose(2, 4, 0, 1, 3).reshape(batch, hist, D)

# --- scband reference (transcript-rebuilt; emitter-appended) ---
"""Pipeline reference for scband-embedding-25812753449459 (READ-ONLY COPY).

The authoritative reference and input builder live on the scoring server;
editing this copy changes nothing except your own understanding.
"""

import jax, jax.numpy as jnp
import numpy as np

NUM_EMBEDDINGS = 1000000
EMBEDDING_DIM = 64
BATCH = 16384
HIST_LEN = 50

def setup_inputs(seed: int = 0) -> dict:
    key = jax.random.key(seed)
    k1, k2 = jax.random.split(key)
    token_ids = jax.random.randint(k1, (BATCH, HIST_LEN), 0, NUM_EMBEDDINGS, dtype=jnp.int64 if jax.config.read('jax_enable_x64') else jnp.int32)
    # trunc_normal_(mean=0, std=1, a=-3, b=3) approximated by truncated normal
    weight = jax.random.truncated_normal(k2, -3.0, 3.0, (NUM_EMBEDDINGS, EMBEDDING_DIM), dtype=jnp.float32)
    return {"token_ids": token_ids, "weight": weight}

def reference(token_ids, weight):
    # weight[token_ids, :]
    return jnp.take(weight, token_ids, axis=0)

if __name__ == "__main__":
    import jax
    _d = setup_inputs()
    print(jax.jit(kernel)(*tuple(_d.values())))

</pallas_src>

<mosaic_0001>
#map = affine_map<(d0, d1) -> (0)>
#map1 = affine_map<(d0, d1) -> (0, 0)>
#map2 = affine_map<(d0, d1) -> (0, 0, 0, 0, 0)>
module attributes {stable_mosaic.version = 14 : i64} {
  func.func @k(%arg0: i32, %arg1: i32, %arg2: memref<819200xi32, #tpu.memory_space<hbm>>, %arg3: memref<1000000x64xf32, #tpu.memory_space<hbm>>, %arg4: memref<50x8x128x8x128xf32, #tpu.memory_space<hbm>>, %arg5: memref<25600xi32, #tpu.memory_space<vmem>>, %arg6: memref<128x64xf32, #tpu.memory_space<vmem>>, %arg7: memref<128x64xf32, #tpu.memory_space<vmem>>, %arg8: memref<64x129xf32, #tpu.memory_space<vmem>>, %arg9: memref<64x129xf32, #tpu.memory_space<vmem>>, %arg10: memref<!tpu.dma_semaphore, #tpu.memory_space<semaphore_mem>>, %arg11: memref<!tpu.dma_semaphore, #tpu.memory_space<semaphore_mem>>, %arg12: memref<!tpu.dma_semaphore, #tpu.memory_space<semaphore_mem>>, %arg13: memref<!tpu.dma_semaphore, #tpu.memory_space<semaphore_mem>>) attributes {dimension_semantics = [#tpu.dimension_semantics<core_parallel>, #tpu.dimension_semantics<subcore_parallel>], iteration_bounds = array<i64: 2, 16>, scalar_prefetch = 0 : i64, scratch_operands = 9 : i64, tpu.core_type = #tpu.core_type<sc_vector_subcore>, window_params = [{transform_indices = #map}, {transform_indices = #map1}, {transform_indices = #map2}]} {
    %mul3A = arith.constant 2 : i32
    %mul3A_0 = arith.muli %arg1, %mul3A : i32
    %add3A = arith.addi %mul3A_0, %arg0 : i32
    %mul3A_1 = arith.constant 200 : i32
    %mul3A_2 = arith.muli %add3A, %mul3A_1 : i32
    %mul3A_3 = arith.constant 128 : i32
    %mul3A_4 = arith.muli %mul3A_2, %mul3A_3 : i32
    "tpu.region"() ({
      %run_scoped3A = tpu.sem_alloc : memref<!tpu.dma_semaphore, #tpu.memory_space<semaphore_mem>>
      %dma_start3A_298 = tpu.memref_slice %arg2[%mul3A_4] : memref<819200xi32, #tpu.memory_space<hbm>> -> memref<25600xi32, #tpu.memory_space<hbm>>
      %dma_start3A_299 = tpu.memref_slice %arg2[%mul3A_4] : memref<819200xi32, #tpu.memory_space<hbm>> -> memref<25600xi32, #tpu.memory_space<hbm>>
      tpu.enqueue_dma source(%dma_start3A_299 : memref<25600xi32, #tpu.memory_space<hbm>>) target(%arg5 : memref<25600xi32, #tpu.memory_space<vmem>>) target_semaphore(%run_scoped3A : memref<!tpu.dma_semaphore, #tpu.memory_space<semaphore_mem>>)
      %dma_wait3A_300 = tpu.memref_slice %arg2[%mul3A_4] : memref<819200xi32, #tpu.memory_space<hbm>> -> memref<25600xi32, #tpu.memory_space<hbm>>
      %dma_wait3A_301 = tpu.memref_slice %arg2[%mul3A_4] : memref<819200xi32, #tpu.memory_space<hbm>> -> memref<25600xi32, #tpu.memory_space<hbm>>
      tpu.wait_dma2 semaphore(%run_scoped3A : memref<!tpu.dma_semaphore, #tpu.memory_space<semaphore_mem>>) src(%dma_wait3A_301 : memref<25600xi32, #tpu.memory_space<hbm>>) dst(%arg5 : memref<25600xi32, #tpu.memory_space<vmem>>)
      tpu.yield
    }) : () -> ()
    %iota3A = tpu.iota {dimensions = array<i32: 0>} : vector<16xi32>
    %add3A_5 = arith.constant 0 : i32
    %add3A_6 = vector.broadcast %add3A_5 : i32 to vector<16xi32>
    %add3A_7 = arith.addi %iota3A, %add3A_6 : vector<16xi32>
    %add3A_8 = arith.constant 16 : i32
    %add3A_9 = vector.broadcast %add3A_8 : i32 to vector<16xi32>
    %add3A_10 = arith.addi %iota3A, %add3A_9 : vector<16xi32>
    %add3A_11 = arith.constant 32 : i32
    %add3A_12 = vector.broadcast %add3A_11 : i32 to vector<16xi32>
    %add3A_13 = arith.addi %iota3A, %add3A_12 : vector<16xi32>
    %add3A_14 = arith.constant 48 : i32
    %add3A_15 = vector.broadcast %add3A_14 : i32 to vector<16xi32>
    %add3A_16 = arith.addi %iota3A, %add3A_15 : vector<16xi32>
    %dma_start3A = arith.constant 0 : i32
    %dma_start3A_17 = tpu.memref_slice %arg5[%dma_start3A] : memref<25600xi32, #tpu.memory_space<vmem>> -> memref<128xi32, #tpu.memory_space<vmem>>
    %dma_start3A_18 = arith.constant 0 : i32
    %dma_start3A_19 = arith.constant 0 : i32
    %dma_start3A_20 = tpu.memref_slice %arg3[%dma_start3A_18, %dma_start3A_19] : memref<1000000x64xf32, #tpu.memory_space<hbm>> -> memref<1000000x64xf32, #tpu.memory_space<hbm>>
    tpu.enqueue_indirect_dma source(%dma_start3A_20 : memref<1000000x64xf32, #tpu.memory_space<hbm>>) target(%arg6 : memref<128x64xf32, #tpu.memory_space<vmem>>) offsets(%dma_start3A_17 : memref<128xi32, #tpu.memory_space<vmem>>) semaphore(%arg10 : memref<!tpu.dma_semaphore, #tpu.memory_space<semaphore_mem>>)
    %scan3A = arith.constant 0 : i32
    %scan3A_21 = arith.constant 0 : i32
    %scan3A_22 = arith.constant 100 : i32
    %scan3A_23 = arith.addi %scan3A_21, %scan3A_22 : i32
    %scan3A_24 = arith.constant 1 : i32
    %scan3A_25 = scf.for %scan3A_298 = %scan3A_21 to %scan3A_23 step %scan3A_24 iter_args(%scan3A_299 = %scan3A) -> (i32)  : i32 {
      %mul3A_300 = arith.constant 2 : i32
      %mul3A_301 = arith.muli %scan3A_298, %mul3A_300 : i32
      %add3A_302 = arith.constant 0 : i32
      %add3A_303 = arith.addi %mul3A_301, %add3A_302 : i32
      %add3A_304 = arith.constant 1 : i32
      %add3A_305 = arith.addi %add3A_303, %add3A_304 : i32
      %lt3A = arith.constant 200 : i32
      %lt3A_306 = arith.cmpi slt, %add3A_305, %lt3A : i32
      %convert_element_type3A = arith.extui %lt3A_306 : i1 to i32
      %cond3A = arith.constant 0 : i32
      %cond3A_307 = arith.cmpi ne, %convert_element_type3A, %cond3A : i32
      scf.if %cond3A_307 {
        %add3A_658 = arith.constant 1 : i32
        %add3A_659 = arith.addi %add3A_303, %add3A_658 : i32
        %mul3A_660 = arith.constant 128 : i32
        %mul3A_661 = arith.muli %add3A_659, %mul3A_660 : i32
        %dma_start3A_662 = tpu.memref_slice %arg5[%mul3A_661] : memref<25600xi32, #tpu.memory_space<vmem>> -> memref<128xi32, #tpu.memory_space<vmem>>
        %dma_start3A_663 = arith.constant 0 : i32
        %dma_start3A_664 = arith.constant 0 : i32
        %dma_start3A_665 = tpu.memref_slice %arg3[%dma_start3A_663, %dma_start3A_664] : memref<1000000x64xf32, #tpu.memory_space<hbm>> -> memref<1000000x64xf32, #tpu.memory_space<hbm>>
        tpu.enqueue_indirect_dma source(%dma_start3A_665 : memref<1000000x64xf32, #tpu.memory_space<hbm>>) target(%arg7 : memref<128x64xf32, #tpu.memory_space<vmem>>) offsets(%dma_start3A_662 : memref<128xi32, #tpu.memory_space<vmem>>) semaphore(%arg11 : memref<!tpu.dma_semaphore, #tpu.memory_space<semaphore_mem>>)
      } else {
      }
      %dma_wait3A_308 = arith.constant 0 : i32
      %dma_wait3A_309 = tpu.memref_slice %arg5[%dma_wait3A_308] : memref<25600xi32, #tpu.memory_space<vmem>> -> memref<128xi32, #tpu.memory_space<vmem>>
      %dma_wait3A_310 = arith.constant 0 : i32
      %dma_wait3A_311 = arith.constant 0 : i32
      %dma_wait3A_312 = tpu.memref_slice %arg3[%dma_wait3A_310, %dma_wait3A_311] : memref<1000000x64xf32, #tpu.memory_space<hbm>> -> memref<1000000x64xf32, #tpu.memory_space<hbm>>
      tpu.wait_indirect_dma semaphore(%arg10 : memref<!tpu.dma_semaphore, #tpu.memory_space<semaphore_mem>>) src(%dma_wait3A_312 : memref<1000000x64xf32, #tpu.memory_space<hbm>>) dst(%arg6 : memref<128x64xf32, #tpu.memory_space<vmem>>)
      %ge3A = arith.constant 2 : i32
      %ge3A_313 = arith.cmpi sge, %add3A_303, %ge3A : i32
      %convert_element_type3A_314 = arith.extui %ge3A_313 : i1 to i32
      %cond3A_315 = arith.constant 0 : i32
      %cond3A_316 = arith.cmpi ne, %convert_element_type3A_314, %cond3A_315 : i32
      scf.if %cond3A_316 {
        %dma_wait3A_658 = arith.constant 0 : i32
        %dma_wait3A_659 = arith.constant 0 : i32
        %dma_wait3A_660 = arith.constant 0 : i32
        %dma_wait3A_661 = arith.constant 0 : i32
        %dma_wait3A_662 = arith.constant 0 : i32
        %dma_wait3A_663 = tpu.memref_slice %arg8[%dma_wait3A_661, %dma_wait3A_662] : memref<64x129xf32, #tpu.memory_space<vmem>> -> memref<8x128xf32, #tpu.memory_space<vmem>>
        %dma_wait3A_664 = arith.constant 0 : i32
        %dma_wait3A_665 = arith.constant 0 : i32
        %dma_wait3A_666 = tpu.memref_slice %arg4[%dma_wait3A_658, %dma_wait3A_659, %dma_wait3A_660, %dma_wait3A_664, %dma_wait3A_665] : memref<50x8x128x8x128xf32, #tpu.memory_space<hbm>> -> memref<1x1x1x8x128xf32, #tpu.memory_space<hbm>>
        %dma_wait3A_667 = tpu.memref_squeeze %dma_wait3A_666 : memref<1x1x1x8x128xf32, #tpu.memory_space<hbm>> -> memref<8x128xf32, #tpu.memory_space<hbm>>
        %dma_wait3A_668 = arith.constant 0 : i32
        %dma_wait3A_669 = arith.constant 0 : i32
        %dma_wait3A_670 = tpu.memref_slice %arg4[%dma_wait3A_658, %dma_wait3A_659, %dma_wait3A_660, %dma_wait3A_668, %dma_wait3A_669] : memref<50x8x128x8x128xf32, #tpu.memory_space<hbm>> -> memref<1x1x1x8x128xf32, #tpu.memory_space<hbm>>
        %dma_wait3A_671 = tpu.memref_squeeze %dma_wait3A_670 : memref<1x1x1x8x128xf32, #tpu.memory_space<hbm>> -> memref<8x128xf32, #tpu.memory_space<hbm>>
        %dma_wait3A_672 = arith.constant 0 : i32
        %dma_wait3A_673 = arith.constant 0 : i32
        %dma_wait3A_674 = tpu.memref_slice %arg8[%dma_wait3A_672, %dma_wait3A_673] : memref<64x129xf32, #tpu.memory_space<vmem>> -> memref<8x128xf32, #tpu.memory_space<vmem>>
        tpu.wait_dma2 semaphore(%arg12 : memref<!tpu.dma_semaphore, #tpu.memory_space<semaphore_mem>>) src(%dma_wait3A_674 : memref<8x128xf32, #tpu.memory_space<vmem>>) dst(%dma_wait3A_671 : memref<8x128xf32, #tpu.memory_space<hbm>>)
        %dma_wait3A_675 = arith.constant 0 : i32
        %dma_wait3A_676 = arith.constant 1 : i32
        %dma_wait3A_677 = arith.constant 0 : i32
        %dma_wait3A_678 = arith.constant 8 : i32
        %dma_wait3A_679 = arith.constant 0 : i32
        %dma_wait3A_680 = tpu.memref_slice %arg8[%dma_wait3A_678, %dma_wait3A_679] : memref<64x129xf32, #tpu.memory_space<vmem>> -> memref<8x128xf32, #tpu.memory_space<vmem>>
        %dma_wait3A_681 = arith.constant 0 : i32
        %dma_wait3A_682 = arith.constant 0 : i32
        %dma_wait3A_683 = tpu.memref_slice %arg4[%dma_wait3A_675, %dma_wait3A_676, %dma_wait3A_677, %dma_wait3A_681, %dma_wait3A_682] : memref<50x8x128x8x128xf32, #tpu.memory_space<hbm>> -> memref<1x1x1x8x128xf32, #tpu.memory_space<hbm>>
        %dma_wait3A_684 = tpu.memref_squeeze %dma_wait3A_683 : memref<1x1x1x8x128xf32, #tpu.memory_space<hbm>> -> memref<8x128xf32, #tpu.memory_space<hbm>>
        %dma_wait3A_685 = arith.constant 0 : i32
        %dma_wait3A_686 = arith.constant 0 : i32
        %dma_wait3A_687 = tpu.memref_slice %arg4[%dma_wait3A_675, %dma_wait3A_676, %dma_wait3A_677, %dma_wait3A_685, %dma_wait3A_686] : memref<50x8x128x8x128xf32, #tpu.memory_space<hbm>> -> memref<1x1x1x8x128xf32, #tpu.memory_space<hbm>>
        %dma_wait3A_688 = tpu.memref_squeeze %dma_wait3A_687 : memref<1x1x1x8x128xf32, #tpu.memory_space<hbm>> -> memref<8x128xf32, #tpu.memory_space<hbm>>
        %dma_wait3A_689 = arith.constant 8 : i32
        %dma_wait3A_690 = arith.constant 0 : i32
        %dma_wait3A_691 = tpu.memref_slice %arg8[%dma_wait3A_689, %dma_wait3A_690] : memref<64x129xf32, #tpu.memory_space<vmem>> -> memref<8x128xf32, #tpu.memory_space<vmem>>
        tpu.wait_dma2 semaphore(%arg12 : memref<!tpu.dma_semaphore, #tpu.memory_space<semaphore_mem>>) src(%dma_wait3A_691 : memref<8x128xf32, #tpu.memory_space<vmem>>) dst(%dma_wait3A_688 : memref<8x128xf32, #tpu.memory_space<hbm>>)
        %dma_wait3A_692 = arith.constant 0 : i32
        %dma_wait3A_693 = arith.constant 2 : i32
        %dma_wait3A_694 = arith.constant 0 : i32
        %dma_wait3A_695 = arith.constant 16 : i32
        %dma_wait3A_696 = arith.constant 0 : i32
        %dma_wait3A_697 = tpu.memref_slice %arg8[%dma_wait3A_695, %dma_wait3A_696] : memref<64x129xf32, #tpu.memory_space<vmem>> -> memref<8x128xf32, #tpu.memory_space<vmem>>
        %dma_wait3A_698 = arith.constant 0 : i32
        %dma_wait3A_699 = arith.constant 0 : i32
        %dma_wait3A_700 = tpu.memref_slice %arg4[%dma_wait3A_692, %dma_wait3A_693, %dma_wait3A_694, %dma_wait3A_698, %dma_wait3A_699] : memref<50x8x128x8x128xf32, #tpu.memory_space<hbm>> -> memref<1x1x1x8x128xf32, #tpu.memory_space<hbm>>
        %dma_wait3A_701 = tpu.memref_squeeze %dma_wait3A_700 : memref<1x1x1x8x128xf32, #tpu.memory_space<hbm>> -> memref<8x128xf32, #tpu.memory_space<hbm>>
        %dma_wait3A_702 = arith.constant 0 : i32
        %dma_wait3A_703 = arith.constant 0 : i32
        %dma_wait3A_704 = tpu.memref_slice %arg4[%dma_wait3A_692, %dma_wait3A_693, %dma_wait3A_694, %dma_wait3A_702, %dma_wait3A_703] : memref<50x8x128x8x128xf32, #tpu.memory_space<hbm>> -> memref<1x1x1x8x128xf32, #tpu.memory_space<hbm>>
        %dma_wait3A_705 = tpu.memref_squeeze %dma_wait3A_704 : memref<1x1x1x8x128xf32, #tpu.memory_space<hbm>> -> memref<8x128xf32, #tpu.memory_space<hbm>>
        %dma_wait3A_706 = arith.constant 16 : i32
        %dma_wait3A_707 = arith.constant 0 : i32
        %dma_wait3A_708 = tpu.memref_slice %arg8[%dma_wait3A_706, %dma_wait3A_707] : memref<64x129xf32, #tpu.memory_space<vmem>> -> memref<8x128xf32, #tpu.memory_space<vmem>>
        tpu.wait_dma2 semaphore(%arg12 : memref<!tpu.dma_semaphore, #tpu.memory_space<semaphore_mem>>) src(%dma_wait3A_708 : memref<8x128xf32, #tpu.memory_space<vmem>>) dst(%dma_wait3A_705 : memref<8x128xf32, #tpu.memory_space<hbm>>)
        %dma_wait3A_709 = arith.constant 0 : i32
        %dma_wait3A_710 = arith.constant 3 : i32
        %dma_wait3A_711 = arith.constant 0 : i32
        %dma_wait3A_712 = arith.constant 24 : i32
        %dma_wait3A_713 = arith.constant 0 : i32
        %dma_wait3A_714 = tpu.memref_slice %arg8[%dma_wait3A_712, %dma_wait3A_713] : memref<64x129xf32, #tpu.memory_space<vmem>> -> memref<8x128xf32, #tpu.memory_space<vmem>>
        %dma_wait3A_715 = arith.constant 0 : i32
        %dma_wait3A_716 = arith.constant 0 : i32
        %dma_wait3A_717 = tpu.memref_slice %arg4[%dma_wait3A_709, %dma_wait3A_710, %dma_wait3A_711, %dma_wait3A_715, %dma_wait3A_716] : memref<50x8x128x8x128xf32, #tpu.memory_space<hbm>> -> memref<1x1x1x8x128xf32, #tpu.memory_space<hbm>>
        %dma_wait3A_718 = tpu.memref_squeeze %dma_wait3A_717 : memref<1x1x1x8x128xf32, #tpu.memory_space<hbm>> -> memref<8x128xf32, #tpu.memory_space<hbm>>
        %dma_wait3A_719 = arith.constant 0 : i32
        %dma_wait3A_720 = arith.constant 0 : i32
        %dma_wait3A_721 = tpu.memref_slice %arg4[%dma_wait3A_709, %dma_wait3A_710, %dma_wait3A_711, %dma_wait3A_719, %dma_wait3A_720] : memref<50x8x128x8x128xf32, #tpu.memory_space<hbm>> -> memref<1x1x1x8x128xf32, #tpu.memory_space<hbm>>
        %dma_wait3A_722 = tpu.memref_squeeze %dma_wait3A_721 : memref<1x1x1x8x128xf32, #tpu.memory_space<hbm>> -> memref<8x128xf32, #tpu.memory_space<hbm>>
        %dma_wait3A_723 = arith.constant 24 : i32
        %dma_wait3A_724 = arith.constant 0 : i32
        %dma_wait3A_725 = tpu.memref_slice %arg8[%dma_wait3A_723, %dma_wait3A_724] : memref<64x129xf32, #tpu.memory_space<vmem>> -> memref<8x128xf32, #tpu.memory_space<vmem>>
        tpu.wait_dma2 semaphore(%arg12 : memref<!tpu.dma_semaphore, #tpu.memory_space<semaphore_mem>>) src(%dma_wait3A_725 : memref<8x128xf32, #tpu.memory_space<vmem>>) dst(%dma_wait3A_722 : memref<8x128xf32, #tpu.memory_space<hbm>>)
        %dma_wait3A_726 = arith.constant 0 : i32
        %dma_wait3A_727 = arith.constant 4 : i32
        %dma_wait3A_728 = arith.constant 0 : i32
        %dma_wait3A_729 = arith.constant 32 : i32
        %dma_wait3A_730 = arith.constant 0 : i32
        %dma_wait3A_731 = tpu.memref_slice %arg8[%dma_wait3A_729, %dma_wait3A_730] : memref<64x129xf32, #tpu.memory_space<vmem>> -> memref<8x128xf32, #tpu.memory_space<vmem>>
        %dma_wait3A_732 = arith.constant 0 : i32
        %dma_wait3A_733 = arith.constant 0 : i32
        %dma_wait3A_734 = tpu.memref_slice %arg4[%dma_wait3A_726, %dma_wait3A_727, %dma_wait3A_728, %dma_wait3A_732, %dma_wait3A_733] : memref<50x8x128x8x128xf32, #tpu.memory_space<hbm>> -> memref<1x1x1x8x128xf32, #tpu.memory_space<hbm>>
        %dma_wait3A_735 = tpu.memref_squeeze %dma_wait3A_734 : memref<1x1x1x8x128xf32, #tpu.memory_space<hbm>> -> memref<8x128xf32, #tpu.memory_space<hbm>>
        %dma_wait3A_736 = arith.constant 0 : i32
        %dma_wait3A_737 = arith.constant 0 : i32
        %dma_wait3A_738 = tpu.memref_slice %arg4[%dma_wait3A_726, %dma_wait3A_727, %dma_wait3A_728, %dma_wait3A_736, %dma_wait3A_737] : memref<50x8x128x8x128xf32, #tpu.memory_space<hbm>> -> memref<1x1x1x8x128xf32, #tpu.memory_space<hbm>>
        %dma_wait3A_739 = tpu.memref_squeeze %dma_wait3A_738 : memref<1x1x1x8x128xf32, #tpu.memory_space<hbm>> -> memref<8x128xf32, #tpu.memory_space<hbm>>
        %dma_wait3A_740 = arith.constant 32 : i32
        %dma_wait3A_741 = arith.constant 0 : i32
        %dma_wait3A_742 = tpu.memref_slice %arg8[%dma_wait3A_740, %dma_wait3A_741] : memref<64x129xf32, #tpu.memory_space<vmem>> -> memref<8x128xf32, #tpu.memory_space<vmem>>
        tpu.wait_dma2 semaphore(%arg12 : memref<!tpu.dma_semaphore, #tpu.memory_space<semaphore_mem>>) src(%dma_wait3A_742 : memref<8x128xf32, #tpu.memory_space<vmem>>) dst(%dma_wait3A_739 : memref<8x128xf32, #tpu.memory_space<hbm>>)
        %dma_wait3A_743 = arith.constant 0 : i32
        %dma_wait3A_744 = arith.constant 5 : i32
        %dma_wait3A_745 = arith.constant 0 : i32
        %dma_wait3A_746 = arith.constant 40 : i32
        %dma_wait3A_747 = arith.constant 0 : i32
        %dma_wait3A_748 = tpu.memref_slice %arg8[%dma_wait3A_746, %dma_wait3A_747] : memref<64x129xf32, #tpu.memory_space<vmem>> -> memref<8x128xf32, #tpu.memory_space<vmem>>
        %dma_wait3A_749 = arith.constant 0 : i32
        %dma_wait3A_750 = arith.constant 0 : i32
        %dma_wait3A_751 = tpu.memref_slice %arg4[%dma_wait3A_743, %dma_wait3A_744, %dma_wait3A_745, %dma_wait3A_749, %dma_wait3A_750] : memref<50x8x128x8x128xf32, #tpu.memory_space<hbm>> -> memref<1x1x1x8x128xf32, #tpu.memory_space<hbm>>
        %dma_wait3A_752 = tpu.memref_squeeze %dma_wait3A_751 : memref<1x1x1x8x128xf32, #tpu.memory_space<hbm>> -> memref<8x128xf32, #tpu.memory_space<hbm>>
        %dma_wait3A_753 = arith.constant 0 : i32
        %dma_wait3A_754 = arith.constant 0 : i32
        %dma_wait3A_755 = tpu.memref_slice %arg4[%dma_wait3A_743, %dma_wait3A_744, %dma_wait3A_745, %dma_wait3A_753, %dma_wait3A_754] : memref<50x8x128x8x128xf32, #tpu.memory_space<hbm>> -> memref<1x1x1x8x128xf32, #tpu.memory_space<hbm>>
        %dma_wait3A_756 = tpu.memref_squeeze %dma_wait3A_755 : memref<1x1x1x8x128xf32, #tpu.memory_space<hbm>> -> memref<8x128xf32, #tpu.memory_space<hbm>>
        %dma_wait3A_757 = arith.constant 40 : i32
        %dma_wait3A_758 = arith.constant 0 : i32
        %dma_wait3A_759 = tpu.memref_slice %arg8[%dma_wait3A_757, %dma_wait3A_758] : memref<64x129xf32, #tpu.memory_space<vmem>> -> memref<8x128xf32, #tpu.memory_space<vmem>>
        tpu.wait_dma2 semaphore(%arg12 : memref<!tpu.dma_semaphore, #tpu.memory_space<semaphore_mem>>) src(%dma_wait3A_759 : memref<8x128xf32, #tpu.memory_space<vmem>>) dst(%dma_wait3A_756 : memref<8x128xf32, #tpu.memory_space<hbm>>)
        %dma_wait3A_760 = arith.constant 0 : i32
        %dma_wait3A_761 = arith.constant 6 : i32
        %dma_wait3A_762 = arith.constant 0 : i32
        %dma_wait3A_763 = arith.constant 48 : i32
        %dma_wait3A_764 = arith.constant 0 : i32
        %dma_wait3A_765 = tpu.memref_slice %arg8[%dma_wait3A_763, %dma_wait3A_764] : memref<64x129xf32, #tpu.memory_space<vmem>> -> memref<8x128xf32, #tpu.memory_space<vmem>>
        %dma_wait3A_766 = arith.constant 0 : i32
        %dma_wait3A_767 = arith.constant 0 : i32
        %dma_wait3A_768 = tpu.memref_slice %arg4[%dma_wait3A_760, %dma_wait3A_761, %dma_wait3A_762, %dma_wait3A_766, %dma_wait3A_767] : memref<50x8x128x8x128xf32, #tpu.memory_space<hbm>> -> memref<1x1x1x8x128xf32, #tpu.memory_space<hbm>>
        %dma_wait3A_769 = tpu.memref_squeeze %dma_wait3A_768 : memref<1x1x1x8x128xf32, #tpu.memory_space<hbm>> -> memref<8x128xf32, #tpu.memory_space<hbm>>
        %dma_wait3A_770 = arith.constant 0 : i32
        %dma_wait3A_771 = arith.constant 0 : i32
        %dma_wait3A_772 = tpu.memref_slice %arg4[%dma_wait3A_760, %dma_wait3A_761, %dma_wait3A_762, %dma_wait3A_770, %dma_wait3A_771] : memref<50x8x128x8x128xf32, #tpu.memory_space<hbm>> -> memref<1x1x1x8x128xf32, #tpu.memory_space<hbm>>
        %dma_wait3A_773 = tpu.memref_squeeze %dma_wait3A_772 : memref<1x1x1x8x128xf32, #tpu.memory_space<hbm>> -> memref<8x128xf32, #tpu.memory_space<hbm>>
        %dma_wait3A_774 = arith.constant 48 : i32
        %dma_wait3A_775 = arith.constant 0 : i32
        %dma_wait3A_776 = tpu.memref_slice %arg8[%dma_wait3A_774, %dma_wait3A_775] : memref<64x129xf32, #tpu.memory_space<vmem>> -> memref<8x128xf32, #tpu.memory_space<vmem>>
        tpu.wait_dma2 semaphore(%arg12 : memref<!tpu.dma_semaphore, #tpu.memory_space<semaphore_mem>>) src(%dma_wait3A_776 : memref<8x128xf32, #tpu.memory_space<vmem>>) dst(%dma_wait3A_773 : memref<8x128xf32, #tpu.memory_space<hbm>>)
        %dma_wait3A_777 = arith.constant 0 : i32
        %dma_wait3A_778 = arith.constant 7 : i32
        %dma_wait3A_779 = arith.constant 0 : i32
        %dma_wait3A_780 = arith.constant 56 : i32
        %dma_wait3A_781 = arith.constant 0 : i32
        %dma_wait3A_782 = tpu.memref_slice %arg8[%dma_wait3A_780, %dma_wait3A_781] : memref<64x129xf32, #tpu.memory_space<vmem>> -> memref<8x128xf32, #tpu.memory_space<vmem>>
        %dma_wait3A_783 = arith.constant 0 : i32
        %dma_wait3A_784 = arith.constant 0 : i32
        %dma_wait3A_785 = tpu.memref_slice %arg4[%dma_wait3A_777, %dma_wait3A_778, %dma_wait3A_779, %dma_wait3A_783, %dma_wait3A_784] : memref<50x8x128x8x128xf32, #tpu.memory_space<hbm>> -> memref<1x1x1x8x128xf32, #tpu.memory_space<hbm>>
        %dma_wait3A_786 = tpu.memref_squeeze %dma_wait3A_785 : memref<1x1x1x8x128xf32, #tpu.memory_space<hbm>> -> memref<8x128xf32, #tpu.memory_space<hbm>>
        %dma_wait3A_787 = arith.constant 0 : i32
        %dma_wait3A_788 = arith.constant 0 : i32
        %dma_wait3A_789 = tpu.memref_slice %arg4[%dma_wait3A_777, %dma_wait3A_778, %dma_wait3A_779, %dma_wait3A_787, %dma_wait3A_788] : memref<50x8x128x8x128xf32, #tpu.memory_space<hbm>> -> memref<1x1x1x8x128xf32, #tpu.memory_space<hbm>>
        %dma_wait3A_790 = tpu.memref_squeeze %dma_wait3A_789 : memref<1x1x1x8x128xf32, #tpu.memory_space<hbm>> -> memref<8x128xf32, #tpu.memory_space<hbm>>
        %dma_wait3A_791 = arith.constant 56 : i32
        %dma_wait3A_792 = arith.constant 0 : i32
        %dma_wait3A_793 = tpu.memref_slice %arg8[%dma_wait3A_791, %dma_wait3A_792] : memref<64x129xf32, #tpu.memory_space<vmem>> -> memref<8x128xf32, #tpu.memory_space<vmem>>
        tpu.wait_dma2 semaphore(%arg12 : memref<!tpu.dma_semaphore, #tpu.memory_space<semaphore_mem>>) src(%dma_wait3A_793 : memref<8x128xf32, #tpu.memory_space<vmem>>) dst(%dma_wait3A_790 : memref<8x128xf32, #tpu.memory_space<hbm>>)
      } else {
      }
      %parallel_loop3A = arith.constant 0 : i32
      %parallel_loop3A_317 = arith.constant 128 : i32
      %parallel_loop3A_318 = arith.constant 1 : i32
      scf.for %parallel_loop3A_658 = %parallel_loop3A to %parallel_loop3A_317 step %parallel_loop3A_318  : i32 {
        %parallel_loop3A_659 = arith.constant 0 : i32
        %parallel_loop3A_660 = vector.broadcast %parallel_loop3A_659 : i32 to vector<16xi32>
        %parallel_loop3A_661 = vector.broadcast %parallel_loop3A_658 : i32 to vector<16xi32>
        %parallel_loop3A_662 = arith.addi %parallel_loop3A_660, %parallel_loop3A_661 : vector<16xi32>
        %parallel_loop3A_663 = arith.index_cast %parallel_loop3A_658 : i32 to index
        %parallel_loop3A_664 = arith.constant 0 : index
        %parallel_loop3A_665 = tpu.vector_load %arg6[%parallel_loop3A_663, %parallel_loop3A_664] {strides = array<i32>} : memref<128x64xf32, #tpu.memory_space<vmem>>, vector<16xf32>,
        tpu.vector_store_idx %arg8[%add3A_7, %parallel_loop3A_662], %parallel_loop3A_665 : memref<64x129xf32, #tpu.memory_space<vmem>>[vector<16xi32>, vector<16xi32>], vector<16xf32>,
        %parallel_loop3A_666 = arith.index_cast %parallel_loop3A_658 : i32 to index
        %parallel_loop3A_667 = arith.constant 16 : index
        %parallel_loop3A_668 = tpu.vector_load %arg6[%parallel_loop3A_666, %parallel_loop3A_667] {strides = array<i32>} : memref<128x64xf32, #tpu.memory_space<vmem>>, vector<16xf32>,
        tpu.vector_store_idx %arg8[%add3A_10, %parallel_loop3A_662], %parallel_loop3A_668 : memref<64x129xf32, #tpu.memory_space<vmem>>[vector<16xi32>, vector<16xi32>], vector<16xf32>,
        %parallel_loop3A_669 = arith.index_cast %parallel_loop3A_658 : i32 to index
        %parallel_loop3A_670 = arith.constant 32 : index
        %parallel_loop3A_671 = tpu.vector_load %arg6[%parallel_loop3A_669, %parallel_loop3A_670] {strides = array<i32>} : memref<128x64xf32, #tpu.memory_space<vmem>>, vector<16xf32>,
        tpu.vector_store_idx %arg8[%add3A_13, %parallel_loop3A_662], %parallel_loop3A_671 : memref<64x129xf32, #tpu.memory_space<vmem>>[vector<16xi32>, vector<16xi32>], vector<16xf32>,
        %parallel_loop3A_672 = arith.index_cast %parallel_loop3A_658 : i32 to index
        %parallel_loop3A_673 = arith.constant 48 : index
        %parallel_loop3A_674 = tpu.vector_load %arg6[%parallel_loop3A_672, %parallel_loop3A_673] {strides = array<i32>} : memref<128x64xf32, #tpu.memory_space<vmem>>, vector<16xf32>,
        tpu.vector_store_idx %arg8[%add3A_16, %parallel_loop3A_662], %parallel_loop3A_674 : memref<64x129xf32, #tpu.memory_space<vmem>>[vector<16xi32>, vector<16xi32>], vector<16xf32>,
      } {sc.loop_unroll_factor = 1 : i64, sc.parallel_access}
      %barrier3A = arith.constant 0 : index
      tpu.barrier barrier_id(%barrier3A)
      %add3A_319 = arith.addi %mul3A_2, %add3A_303 : i32
      %jit3A = arith.constant 128 : i32
      %div3A = arith.divsi %add3A_319, %jit3A : i32
      %sign3A = arith.constant 0 : i32
      %sign3A_320 = arith.cmpi sgt, %add3A_319, %sign3A : i32
      %sign3A_321 = arith.extui %sign3A_320 : i1 to i32
      %sign3A_322 = arith.constant 0 : i32
      %sign3A_323 = arith.cmpi slt, %add3A_319, %sign3A_322 : i32
      %sign3A_324 = arith.extui %sign3A_323 : i1 to i32
      %sign3A_325 = arith.subi %sign3A_321, %sign3A_324 : i32
      %sign3A_326 = arith.constant 0 : i32
      %sign3A_327 = arith.cmpi sgt, %jit3A, %sign3A_326 : i32
      %sign3A_328 = arith.extui %sign3A_327 : i1 to i32
      %sign3A_329 = arith.constant 0 : i32
      %sign3A_330 = arith.cmpi slt, %jit3A, %sign3A_329 : i32
      %sign3A_331 = arith.extui %sign3A_330 : i1 to i32
      %sign3A_332 = arith.subi %sign3A_328, %sign3A_331 : i32
      %ne3A = arith.cmpi ne, %sign3A_325, %sign3A_332 : i32
      %rem3A = arith.remsi %add3A_319, %jit3A : i32
      %ne3A_333 = arith.constant 0 : i32
      %ne3A_334 = arith.cmpi ne, %rem3A, %ne3A_333 : i32
      %and3A = arith.andi %ne3A, %ne3A_334 : i1
      %sub3A = arith.constant 1 : i32
      %sub3A_335 = arith.subi %div3A, %sub3A : i32
      %select_n3A = arith.select %and3A, %sub3A_335, %div3A : i32
      %jit3A_336 = arith.constant 128 : i32
      %eq3A = arith.constant 0 : i32
      %eq3A_337 = arith.cmpi eq, %jit3A_336, %eq3A : i32
      %jit3A_338 = arith.constant 1 : i32
      %select_n3A_339 = arith.select %eq3A_337, %jit3A_338, %jit3A_336 : i32
      %rem3A_340 = arith.remsi %add3A_319, %select_n3A_339 : i32
      %ne3A_341 = arith.constant 0 : i32
      %ne3A_342 = arith.cmpi ne, %rem3A_340, %ne3A_341 : i32
      %lt3A_343 = arith.constant 0 : i32
      %lt3A_344 = arith.cmpi slt, %rem3A_340, %lt3A_343 : i32
      %lt3A_345 = arith.constant 0 : i32
      %lt3A_346 = arith.cmpi slt, %select_n3A_339, %lt3A_345 : i32
      %ne3A_347 = arith.xori %lt3A_344, %lt3A_346 : i1
      %and3A_348 = arith.andi %ne3A_347, %ne3A_342 : i1
      %add3A_349 = arith.addi %rem3A_340, %select_n3A_339 : i32
      %select_n3A_350 = arith.select %and3A_348, %add3A_349, %rem3A_340 : i32
      %dma_start3A_351 = arith.constant 0 : i32
      %dma_start3A_352 = arith.constant 0 : i32
      %dma_start3A_353 = arith.constant 0 : i32
      %dma_start3A_354 = tpu.memref_slice %arg8[%dma_start3A_352, %dma_start3A_353] : memref<64x129xf32, #tpu.memory_space<vmem>> -> memref<8x128xf32, #tpu.memory_space<vmem>>
      %dma_start3A_355 = arith.constant 0 : i32
      %dma_start3A_356 = arith.constant 0 : i32
      %dma_start3A_357 = tpu.memref_slice %arg4[%select_n3A, %dma_start3A_351, %select_n3A_350, %dma_start3A_355, %dma_start3A_356] : memref<50x8x128x8x128xf32, #tpu.memory_space<hbm>> -> memref<1x1x1x8x128xf32, #tpu.memory_space<hbm>>
      %dma_start3A_358 = tpu.memref_squeeze %dma_start3A_357 : memref<1x1x1x8x128xf32, #tpu.memory_space<hbm>> -> memref<8x128xf32, #tpu.memory_space<hbm>>
      %dma_start3A_359 = arith.constant 0 : i32
      %dma_start3A_360 = arith.constant 0 : i32
      %dma_start3A_361 = tpu.memref_slice %arg4[%select_n3A, %dma_start3A_351, %select_n3A_350, %dma_start3A_359, %dma_start3A_360] : memref<50x8x128x8x128xf32, #tpu.memory_space<hbm>> -> memref<1x1x1x8x128xf32, #tpu.memory_space<hbm>>
      %dma_start3A_362 = tpu.memref_squeeze %dma_start3A_361 : memref<1x1x1x8x128xf32, #tpu.memory_space<hbm>> -> memref<8x128xf32, #tpu.memory_space<hbm>>
      %dma_start3A_363 = arith.constant 0 : i32
      %dma_start3A_364 = arith.constant 0 : i32
      %dma_start3A_365 = tpu.memref_slice %arg8[%dma_start3A_363, %dma_start3A_364] : memref<64x129xf32, #tpu.memory_space<vmem>> -> memref<8x128xf32, #tpu.memory_space<vmem>>
      tpu.enqueue_dma source(%dma_start3A_365 : memref<8x128xf32, #tpu.memory_space<vmem>>) target(%dma_start3A_362 : memref<8x128xf32, #tpu.memory_space<hbm>>) target_semaphore(%arg12 : memref<!tpu.dma_semaphore, #tpu.memory_space<semaphore_mem>>)
      %dma_start3A_366 = arith.constant 1 : i32
      %dma_start3A_367 = arith.constant 8 : i32
      %dma_start3A_368 = arith.constant 0 : i32
      %dma_start3A_369 = tpu.memref_slice %arg8[%dma_start3A_367, %dma_start3A_368] : memref<64x129xf32, #tpu.memory_space<vmem>> -> memref<8x128xf32, #tpu.memory_space<vmem>>
      %dma_start3A_370 = arith.constant 0 : i32
      %dma_start3A_371 = arith.constant 0 : i32
      %dma_start3A_372 = tpu.memref_slice %arg4[%select_n3A, %dma_start3A_366, %select_n3A_350, %dma_start3A_370, %dma_start3A_371] : memref<50x8x128x8x128xf32, #tpu.memory_space<hbm>> -> memref<1x1x1x8x128xf32, #tpu.memory_space<hbm>>
      %dma_start3A_373 = tpu.memref_squeeze %dma_start3A_372 : memref<1x1x1x8x128xf32, #tpu.memory_space<hbm>> -> memref<8x128xf32, #tpu.memory_space<hbm>>
      %dma_start3A_374 = arith.constant 0 : i32
      %dma_start3A_375 = arith.constant 0 : i32
      %dma_start3A_376 = tpu.memref_slice %arg4[%select_n3A, %dma_start3A_366, %select_n3A_350, %dma_start3A_374, %dma_start3A_375] : memref<50x8x128x8x128xf32, #tpu.memory_space<hbm>> -> memref<1x1x1x8x128xf32, #tpu.memory_space<hbm>>
      %dma_start3A_377 = tpu.memref_squeeze %dma_start3A_376 : memref<1x1x1x8x128xf32, #tpu.memory_space<hbm>> -> memref<8x128xf32, #tpu.memory_space<hbm>>
      %dma_start3A_378 = arith.constant 8 : i32
      %dma_start3A_379 = arith.constant 0 : i32
      %dma_start3A_380 = tpu.memref_slice %arg8[%dma_start3A_378, %dma_start3A_379] : memref<64x129xf32, #tpu.memory_space<vmem>> -> memref<8x128xf32, #tpu.memory_space<vmem>>
      tpu.enqueue_dma source(%dma_start3A_380 : memref<8x128xf32, #tpu.memory_space<vmem>>) target(%dma_start3A_377 : memref<8x128xf32, #tpu.memory_space<hbm>>) target_semaphore(%arg12 : memref<!tpu.dma_semaphore, #tpu.memory_space<semaphore_mem>>)
      %dma_start3A_381 = arith.constant 2 : i32
      %dma_start3A_382 = arith.constant 16 : i32
      %dma_start3A_383 = arith.constant 0 : i32
      %dma_start3A_384 = tpu.memref_slice %arg8[%dma_start3A_382, %dma_start3A_383] : memref<64x129xf32, #tpu.memory_space<vmem>> -> memref<8x128xf32, #tpu.memory_space<vmem>>
      %dma_start3A_385 = arith.constant 0 : i32
      %dma_start3A_386 = arith.constant 0 : i32
      %dma_start3A_387 = tpu.memref_slice %arg4[%select_n3A, %dma_start3A_381, %select_n3A_350, %dma_start3A_385, %dma_start3A_386] : memref<50x8x128x8x128xf32, #tpu.memory_space<hbm>> -> memref<1x1x1x8x128xf32, #tpu.memory_space<hbm>>
      %dma_start3A_388 = tpu.memref_squeeze %dma_start3A_387 : memref<1x1x1x8x128xf32, #tpu.memory_space<hbm>> -> memref<8x128xf32, #tpu.memory_space<hbm>>
      %dma_start3A_389 = arith.constant 0 : i32
      %dma_start3A_390 = arith.constant 0 : i32
      %dma_start3A_391 = tpu.memref_slice %arg4[%select_n3A, %dma_start3A_381, %select_n3A_350, %dma_start3A_389, %dma_start3A_390] : memref<50x8x128x8x128xf32, #tpu.memory_space<hbm>> -> memref<1x1x1x8x128xf32, #tpu.memory_space<hbm>>
      %dma_start3A_392 = tpu.memref_squeeze %dma_start3A_391 : memref<1x1x1x8x128xf32, #tpu.memory_space<hbm>> -> memref<8x128xf32, #tpu.memory_space<hbm>>
      %dma_start3A_393 = arith.constant 16 : i32
      %dma_start3A_394 = arith.constant 0 : i32
      %dma_start3A_395 = tpu.memref_slice %arg8[%dma_start3A_393, %dma_start3A_394] : memref<64x129xf32, #tpu.memory_space<vmem>> -> memref<8x128xf32, #tpu.memory_space<vmem>>
      tpu.enqueue_dma source(%dma_start3A_395 : memref<8x128xf32, #tpu.memory_space<vmem>>) target(%dma_start3A_392 : memref<8x128xf32, #tpu.memory_space<hbm>>) target_semaphore(%arg12 : memref<!tpu.dma_semaphore, #tpu.memory_space<semaphore_mem>>)
      %dma_start3A_396 = arith.constant 3 : i32
      %dma_start3A_397 = arith.constant 24 : i32
      %dma_start3A_398 = arith.constant 0 : i32
      %dma_start3A_399 = tpu.memref_slice %arg8[%dma_start3A_397, %dma_start3A_398] : memref<64x129xf32, #tpu.memory_space<vmem>> -> memref<8x128xf32, #tpu.memory_space<vmem>>
      %dma_start3A_400 = arith.constant 0 : i32
      %dma_start3A_401 = arith.constant 0 : i32
      %dma_start3A_402 = tpu.memref_slice %arg4[%select_n3A, %dma_start3A_396, %select_n3A_350, %dma_start3A_400, %dma_start3A_401] : memref<50x8x128x8x128xf32, #tpu.memory_space<hbm>> -> memref<1x1x1x8x128xf32, #tpu.memory_space<hbm>>
      %dma_start3A_403 = tpu.memref_squeeze %dma_start3A_402 : memref<1x1x1x8x128xf32, #tpu.memory_space<hbm>> -> memref<8x128xf32, #tpu.memory_space<hbm>>
      %dma_start3A_404 = arith.constant 0 : i32
      %dma_start3A_405 = arith.constant 0 : i32
      %dma_start3A_406 = tpu.memref_slice %arg4[%select_n3A, %dma_start3A_396, %select_n3A_350, %dma_start3A_404, %dma_start3A_405] : memref<50x8x128x8x128xf32, #tpu.memory_space<hbm>> -> memref<1x1x1x8x128xf32, #tpu.memory_space<hbm>>
      %dma_start3A_407 = tpu.memref_squeeze %dma_start3A_406 : memref<1x1x1x8x128xf32, #tpu.memory_space<hbm>> -> memref<8x128xf32, #tpu.memory_space<hbm>>
      %dma_start3A_408 = arith.constant 24 : i32
      %dma_start3A_409 = arith.constant 0 : i32
      %dma_start3A_410 = tpu.memref_slice %arg8[%dma_start3A_408, %dma_start3A_409] : memref<64x129xf32, #tpu.memory_space<vmem>> -> memref<8x128xf32, #tpu.memory_space<vmem>>
      tpu.enqueue_dma source(%dma_start3A_410 : memref<8x128xf32, #tpu.memory_space<vmem>>) target(%dma_start3A_407 : memref<8x128xf32, #tpu.memory_space<hbm>>) target_semaphore(%arg12 : memref<!tpu.dma_semaphore, #tpu.memory_space<semaphore_mem>>)
      %dma_start3A_411 = arith.constant 4 : i32
      %dma_start3A_412 = arith.constant 32 : i32
      %dma_start3A_413 = arith.constant 0 : i32
      %dma_start3A_414 = tpu.memref_slice %arg8[%dma_start3A_412, %dma_start3A_413] : memref<64x129xf32, #tpu.memory_space<vmem>> -> memref<8x128xf32, #tpu.memory_space<vmem>>
      %dma_start3A_415 = arith.constant 0 : i32
      %dma_start3A_416 = arith.constant 0 : i32
      %dma_start3A_417 = tpu.memref_slice %arg4[%select_n3A, %dma_start3A_411, %select_n3A_350, %dma_start3A_415, %dma_start3A_416] : memref<50x8x128x8x128xf32, #tpu.memory_space<hbm>> -> memref<1x1x1x8x128xf32, #tpu.memory_space<hbm>>
      %dma_start3A_418 = tpu.memref_squeeze %dma_start3A_417 : memref<1x1x1x8x128xf32, #tpu.memory_space<hbm>> -> memref<8x128xf32, #tpu.memory_space<hbm>>
      %dma_start3A_419 = arith.constant 0 : i32
      %dma_start3A_420 = arith.constant 0 : i32
      %dma_start3A_421 = tpu.memref_slice %arg4[%select_n3A, %dma_start3A_411, %select_n3A_350, %dma_start3A_419, %dma_start3A_420] : memref<50x8x128x8x128xf32, #tpu.memory_space<hbm>> -> memref<1x1x1x8x128xf32, #tpu.memory_space<hbm>>
      %dma_start3A_422 = tpu.memref_squeeze %dma_start3A_421 : memref<1x1x1x8x128xf32, #tpu.memory_space<hbm>> -> memref<8x128xf32, #tpu.memory_space<hbm>>
      %dma_start3A_423 = arith.constant 32 : i32
      %dma_start3A_424 = arith.constant 0 : i32
      %dma_start3A_425 = tpu.memref_slice %arg8[%dma_start3A_423, %dma_start3A_424] : memref<64x129xf32, #tpu.memory_space<vmem>> -> memref<8x128xf32, #tpu.memory_space<vmem>>
      tpu.enqueue_dma source(%dma_start3A_425 : memref<8x128xf32, #tpu.memory_space<vmem>>) target(%dma_start3A_422 : memref<8x128xf32, #tpu.memory_space<hbm>>) target_semaphore(%arg12 : memref<!tpu.dma_semaphore, #tpu.memory_space<semaphore_mem>>)
      %dma_start3A_426 = arith.constant 5 : i32
      %dma_start3A_427 = arith.constant 40 : i32
      %dma_start3A_428 = arith.constant 0 : i32
      %dma_start3A_429 = tpu.memref_slice %arg8[%dma_start3A_427, %dma_start3A_428] : memref<64x129xf32, #tpu.memory_space<vmem>> -> memref<8x128xf32, #tpu.memory_space<vmem>>
      %dma_start3A_430 = arith.constant 0 : i32
      %dma_start3A_431 = arith.constant 0 : i32
      %dma_start3A_432 = tpu.memref_slice %arg4[%select_n3A, %dma_start3A_426, %select_n3A_350, %dma_start3A_430, %dma_start3A_431] : memref<50x8x128x8x128xf32, #tpu.memory_space<hbm>> -> memref<1x1x1x8x128xf32, #tpu.memory_space<hbm>>
      %dma_start3A_433 = tpu.memref_squeeze %dma_start3A_432 : memref<1x1x1x8x128xf32, #tpu.memory_space<hbm>> -> memref<8x128xf32, #tpu.memory_space<hbm>>
      %dma_start3A_434 = arith.constant 0 : i32
      %dma_start3A_435 = arith.constant 0 : i32
      %dma_start3A_436 = tpu.memref_slice %arg4[%select_n3A, %dma_start3A_426, %select_n3A_350, %dma_start3A_434, %dma_start3A_435] : memref<50x8x128x8x128xf32, #tpu.memory_space<hbm>> -> memref<1x1x1x8x128xf32, #tpu.memory_space<hbm>>
      %dma_start3A_437 = tpu.memref_squeeze %dma_start3A_436 : memref<1x1x1x8x128xf32, #tpu.memory_space<hbm>> -> memref<8x128xf32, #tpu.memory_space<hbm>>
      %dma_start3A_438 = arith.constant 40 : i32
      %dma_start3A_439 = arith.constant 0 : i32
      %dma_start3A_440 = tpu.memref_slice %arg8[%dma_start3A_438, %dma_start3A_439] : memref<64x129xf32, #tpu.memory_space<vmem>> -> memref<8x128xf32, #tpu.memory_space<vmem>>
      tpu.enqueue_dma source(%dma_start3A_440 : memref<8x128xf32, #tpu.memory_space<vmem>>) target(%dma_start3A_437 : memref<8x128xf32, #tpu.memory_space<hbm>>) target_semaphore(%arg12 : memref<!tpu.dma_semaphore, #tpu.memory_space<semaphore_mem>>)
      %dma_start3A_441 = arith.constant 6 : i32
      %dma_start3A_442 = arith.constant 48 : i32
      %dma_start3A_443 = arith.constant 0 : i32
      %dma_start3A_444 = tpu.memref_slice %arg8[%dma_start3A_442, %dma_start3A_443] : memref<64x129xf32, #tpu.memory_space<vmem>> -> memref<8x128xf32, #tpu.memory_space<vmem>>
      %dma_start3A_445 = arith.constant 0 : i32
      %dma_start3A_446 = arith.constant 0 : i32
      %dma_start3A_447 = tpu.memref_slice %arg4[%select_n3A, %dma_start3A_441, %select_n3A_350, %dma_start3A_445, %dma_start3A_446] : memref<50x8x128x8x128xf32, #tpu.memory_space<hbm>> -> memref<1x1x1x8x128xf32, #tpu.memory_space<hbm>>
      %dma_start3A_448 = tpu.memref_squeeze %dma_start3A_447 : memref<1x1x1x8x128xf32, #tpu.memory_space<hbm>> -> memref<8x128xf32, #tpu.memory_space<hbm>>
      %dma_start3A_449 = arith.constant 0 : i32
      %dma_start3A_450 = arith.constant 0 : i32
      %dma_start3A_451 = tpu.memref_slice %arg4[%select_n3A, %dma_start3A_441, %select_n3A_350, %dma_start3A_449, %dma_start3A_450] : memref<50x8x128x8x128xf32, #tpu.memory_space<hbm>> -> memref<1x1x1x8x128xf32, #tpu.memory_space<hbm>>
      %dma_start3A_452 = tpu.memref_squeeze %dma_start3A_451 : memref<1x1x1x8x128xf32, #tpu.memory_space<hbm>> -> memref<8x128xf32, #tpu.memory_space<hbm>>
      %dma_start3A_453 = arith.constant 48 : i32
      %dma_start3A_454 = arith.constant 0 : i32
      %dma_start3A_455 = tpu.memref_slice %arg8[%dma_start3A_453, %dma_start3A_454] : memref<64x129xf32, #tpu.memory_space<vmem>> -> memref<8x128xf32, #tpu.memory_space<vmem>>
      tpu.enqueue_dma source(%dma_start3A_455 : memref<8x128xf32, #tpu.memory_space<vmem>>) target(%dma_start3A_452 : memref<8x128xf32, #tpu.memory_space<hbm>>) target_semaphore(%arg12 : memref<!tpu.dma_semaphore, #tpu.memory_space<semaphore_mem>>)
      %dma_start3A_456 = arith.constant 7 : i32
      %dma_start3A_457 = arith.constant 56 : i32
      %dma_start3A_458 = arith.constant 0 : i32
      %dma_start3A_459 = tpu.memref_slice %arg8[%dma_start3A_457, %dma_start3A_458] : memref<64x129xf32, #tpu.memory_space<vmem>> -> memref<8x128xf32, #tpu.memory_space<vmem>>
      %dma_start3A_460 = arith.constant 0 : i32
      %dma_start3A_461 = arith.constant 0 : i32
      %dma_start3A_462 = tpu.memref_slice %arg4[%select_n3A, %dma_start3A_456, %select_n3A_350, %dma_start3A_460, %dma_start3A_461] : memref<50x8x128x8x128xf32, #tpu.memory_space<hbm>> -> memref<1x1x1x8x128xf32, #tpu.memory_space<hbm>>
      %dma_start3A_463 = tpu.memref_squeeze %dma_start3A_462 : memref<1x1x1x8x128xf32, #tpu.memory_space<hbm>> -> memref<8x128xf32, #tpu.memory_space<hbm>>
      %dma_start3A_464 = arith.constant 0 : i32
      %dma_start3A_465 = arith.constant 0 : i32
      %dma_start3A_466 = tpu.memref_slice %arg4[%select_n3A, %dma_start3A_456, %select_n3A_350, %dma_start3A_464, %dma_start3A_465] : memref<50x8x128x8x128xf32, #tpu.memory_space<hbm>> -> memref<1x1x1x8x128xf32, #tpu.memory_space<hbm>>
      %dma_start3A_467 = tpu.memref_squeeze %dma_start3A_466 : memref<1x1x1x8x128xf32, #tpu.memory_space<hbm>> -> memref<8x128xf32, #tpu.memory_space<hbm>>
      %dma_start3A_468 = arith.constant 56 : i32
      %dma_start3A_469 = arith.constant 0 : i32
      %dma_start3A_470 = tpu.memref_slice %arg8[%dma_start3A_468, %dma_start3A_469] : memref<64x129xf32, #tpu.memory_space<vmem>> -> memref<8x128xf32, #tpu.memory_space<vmem>>
      tpu.enqueue_dma source(%dma_start3A_470 : memref<8x128xf32, #tpu.memory_space<vmem>>) target(%dma_start3A_467 : memref<8x128xf32, #tpu.memory_space<hbm>>) target_semaphore(%arg12 : memref<!tpu.dma_semaphore, #tpu.memory_space<semaphore_mem>>)
      %mul3A_471 = arith.constant 2 : i32
      %mul3A_472 = arith.muli %scan3A_298, %mul3A_471 : i32
      %add3A_473 = arith.constant 1 : i32
      %add3A_474 = arith.addi %mul3A_472, %add3A_473 : i32
      %add3A_475 = arith.constant 1 : i32
      %add3A_476 = arith.addi %add3A_474, %add3A_475 : i32
      %lt3A_477 = arith.constant 200 : i32
      %lt3A_478 = arith.cmpi slt, %add3A_476, %lt3A_477 : i32
      %convert_element_type3A_479 = arith.extui %lt3A_478 : i1 to i32
      %cond3A_480 = arith.constant 0 : i32
      %cond3A_481 = arith.cmpi ne, %convert_element_type3A_479, %cond3A_480 : i32
      scf.if %cond3A_481 {
        %add3A_658 = arith.constant 1 : i32
        %add3A_659 = arith.addi %add3A_474, %add3A_658 : i32
        %mul3A_660 = arith.constant 128 : i32
        %mul3A_661 = arith.muli %add3A_659, %mul3A_660 : i32
        %dma_start3A_662 = tpu.memref_slice %arg5[%mul3A_661] : memref<25600xi32, #tpu.memory_space<vmem>> -> memref<128xi32, #tpu.memory_space<vmem>>
        %dma_start3A_663 = arith.constant 0 : i32
        %dma_start3A_664 = arith.constant 0 : i32
        %dma_start3A_665 = tpu.memref_slice %arg3[%dma_start3A_663, %dma_start3A_664] : memref<1000000x64xf32, #tpu.memory_space<hbm>> -> memref<1000000x64xf32, #tpu.memory_space<hbm>>
        tpu.enqueue_indirect_dma source(%dma_start3A_665 : memref<1000000x64xf32, #tpu.memory_space<hbm>>) target(%arg6 : memref<128x64xf32, #tpu.memory_space<vmem>>) offsets(%dma_start3A_662 : memref<128xi32, #tpu.memory_space<vmem>>) semaphore(%arg10 : memref<!tpu.dma_semaphore, #tpu.memory_space<semaphore_mem>>)
      } else {
      }
      %dma_wait3A_482 = arith.constant 0 : i32
      %dma_wait3A_483 = tpu.memref_slice %arg5[%dma_wait3A_482] : memref<25600xi32, #tpu.memory_space<vmem>> -> memref<128xi32, #tpu.memory_space<vmem>>
      %dma_wait3A_484 = arith.constant 0 : i32
      %dma_wait3A_485 = arith.constant 0 : i32
      %dma_wait3A_486 = tpu.memref_slice %arg3[%dma_wait3A_484, %dma_wait3A_485] : memref<1000000x64xf32, #tpu.memory_space<hbm>> -> memref<1000000x64xf32, #tpu.memory_space<hbm>>
      tpu.wait_indirect_dma semaphore(%arg11 : memref<!tpu.dma_semaphore, #tpu.memory_space<semaphore_mem>>) src(%dma_wait3A_486 : memref<1000000x64xf32, #tpu.memory_space<hbm>>) dst(%arg7 : memref<128x64xf32, #tpu.memory_space<vmem>>)
      %ge3A_487 = arith.constant 2 : i32
      %ge3A_488 = arith.cmpi sge, %add3A_474, %ge3A_487 : i32
      %convert_element_type3A_489 = arith.extui %ge3A_488 : i1 to i32
      %cond3A_490 = arith.constant 0 : i32
      %cond3A_491 = arith.cmpi ne, %convert_element_type3A_489, %cond3A_490 : i32
      scf.if %cond3A_491 {
        %dma_wait3A_658 = arith.constant 0 : i32
        %dma_wait3A_659 = arith.constant 0 : i32
        %dma_wait3A_660 = arith.constant 0 : i32
        %dma_wait3A_661 = arith.constant 0 : i32
        %dma_wait3A_662 = arith.constant 0 : i32
        %dma_wait3A_663 = tpu.memref_slice %arg9[%dma_wait3A_661, %dma_wait3A_662] : memref<64x129xf32, #tpu.memory_space<vmem>> -> memref<8x128xf32, #tpu.memory_space<vmem>>
        %dma_wait3A_664 = arith.constant 0 : i32
        %dma_wait3A_665 = arith.constant 0 : i32
        %dma_wait3A_666 = tpu.memref_slice %arg4[%dma_wait3A_658, %dma_wait3A_659, %dma_wait3A_660, %dma_wait3A_664, %dma_wait3A_665] : memref<50x8x128x8x128xf32, #tpu.memory_space<hbm>> -> memref<1x1x1x8x128xf32, #tpu.memory_space<hbm>>
        %dma_wait3A_667 = tpu.memref_squeeze %dma_wait3A_666 : memref<1x1x1x8x128xf32, #tpu.memory_space<hbm>> -> memref<8x128xf32, #tpu.memory_space<hbm>>
        %dma_wait3A_668 = arith.constant 0 : i32
        %dma_wait3A_669 = arith.constant 0 : i32
        %dma_wait3A_670 = tpu.memref_slice %arg4[%dma_wait3A_658, %dma_wait3A_659, %dma_wait3A_660, %dma_wait3A_668, %dma_wait3A_669] : memref<50x8x128x8x128xf32, #tpu.memory_space<hbm>> -> memref<1x1x1x8x128xf32, #tpu.memory_space<hbm>>
        %dma_wait3A_671 = tpu.memref_squeeze %dma_wait3A_670 : memref<1x1x1x8x128xf32, #tpu.memory_space<hbm>> -> memref<8x128xf32, #tpu.memory_space<hbm>>
        %dma_wait3A_672 = arith.constant 0 : i32
        %dma_wait3A_673 = arith.constant 0 : i32
        %dma_wait3A_674 = tpu.memref_slice %arg9[%dma_wait3A_672, %dma_wait3A_673] : memref<64x129xf32, #tpu.memory_space<vmem>> -> memref<8x128xf32, #tpu.memory_space<vmem>>
        tpu.wait_dma2 semaphore(%arg13 : memref<!tpu.dma_semaphore, #tpu.memory_space<semaphore_mem>>) src(%dma_wait3A_674 : memref<8x128xf32, #tpu.memory_space<vmem>>) dst(%dma_wait3A_671 : memref<8x128xf32, #tpu.memory_space<hbm>>)
        %dma_wait3A_675 = arith.constant 0 : i32
        %dma_wait3A_676 = arith.constant 1 : i32
        %dma_wait3A_677 = arith.constant 0 : i32
        %dma_wait3A_678 = arith.constant 8 : i32
        %dma_wait3A_679 = arith.constant 0 : i32
        %dma_wait3A_680 = tpu.memref_slice %arg9[%dma_wait3A_678, %dma_wait3A_679] : memref<64x129xf32, #tpu.memory_space<vmem>> -> memref<8x128xf32, #tpu.memory_space<vmem>>
        %dma_wait3A_681 = arith.constant 0 : i32
        %dma_wait3A_682 = arith.constant 0 : i32
        %dma_wait3A_683 = tpu.memref_slice %arg4[%dma_wait3A_675, %dma_wait3A_676, %dma_wait3A_677, %dma_wait3A_681, %dma_wait3A_682] : memref<50x8x128x8x128xf32, #tpu.memory_space<hbm>> -> memref<1x1x1x8x128xf32, #tpu.memory_space<hbm>>
        %dma_wait3A_684 = tpu.memref_squeeze %dma_wait3A_683 : memref<1x1x1x8x128xf32, #tpu.memory_space<hbm>> -> memref<8x128xf32, #tpu.memory_space<hbm>>
        %dma_wait3A_685 = arith.constant 0 : i32
        %dma_wait3A_686 = arith.constant 0 : i32
        %dma_wait3A_687 = tpu.memref_slice %arg4[%dma_wait3A_675, %dma_wait3A_676, %dma_wait3A_677, %dma_wait3A_685, %dma_wait3A_686] : memref<50x8x128x8x128xf32, #tpu.memory_space<hbm>> -> memref<1x1x1x8x128xf32, #tpu.memory_space<hbm>>
        %dma_wait3A_688 = tpu.memref_squeeze %dma_wait3A_687 : memref<1x1x1x8x128xf32, #tpu.memory_space<hbm>> -> memref<8x128xf32, #tpu.memory_space<hbm>>
        %dma_wait3A_689 = arith.constant 8 : i32
        %dma_wait3A_690 = arith.constant 0 : i32
        %dma_wait3A_691 = tpu.memref_slice %arg9[%dma_wait3A_689, %dma_wait3A_690] : memref<64x129xf32, #tpu.memory_space<vmem>> -> memref<8x128xf32, #tpu.memory_space<vmem>>
        tpu.wait_dma2 semaphore(%arg13 : memref<!tpu.dma_semaphore, #tpu.memory_space<semaphore_mem>>) src(%dma_wait3A_691 : memref<8x128xf32, #tpu.memory_space<vmem>>) dst(%dma_wait3A_688 : memref<8x128xf32, #tpu.memory_space<hbm>>)
        %dma_wait3A_692 = arith.constant 0 : i32
        %dma_wait3A_693 = arith.constant 2 : i32
        %dma_wait3A_694 = arith.constant 0 : i32
        %dma_wait3A_695 = arith.constant 16 : i32
        %dma_wait3A_696 = arith.constant 0 : i32
        %dma_wait3A_697 = tpu.memref_slice %arg9[%dma_wait3A_695, %dma_wait3A_696] : memref<64x129xf32, #tpu.memory_space<vmem>> -> memref<8x128xf32, #tpu.memory_space<vmem>>
        %dma_wait3A_698 = arith.constant 0 : i32
        %dma_wait3A_699 = arith.constant 0 : i32
        %dma_wait3A_700 = tpu.memref_slice %arg4[%dma_wait3A_692, %dma_wait3A_693, %dma_wait3A_694, %dma_wait3A_698, %dma_wait3A_699] : memref<50x8x128x8x128xf32, #tpu.memory_space<hbm>> -> memref<1x1x1x8x128xf32, #tpu.memory_space<hbm>>
        %dma_wait3A_701 = tpu.memref_squeeze %dma_wait3A_700 : memref<1x1x1x8x128xf32, #tpu.memory_space<hbm>> -> memref<8x128xf32, #tpu.memory_space<hbm>>
        %dma_wait3A_702 = arith.constant 0 : i32
        %dma_wait3A_703 = arith.constant 0 : i32
        %dma_wait3A_704 = tpu.memref_slice %arg4[%dma_wait3A_692, %dma_wait3A_693, %dma_wait3A_694, %dma_wait3A_702, %dma_wait3A_703] : memref<50x8x128x8x128xf32, #tpu.memory_space<hbm>> -> memref<1x1x1x8x128xf32, #tpu.memory_space<hbm>>
        %dma_wait3A_705 = tpu.memref_squeeze %dma_wait3A_704 : memref<1x1x1x8x128xf32, #tpu.memory_space<hbm>> -> memref<8x128xf32, #tpu.memory_space<hbm>>
        %dma_wait3A_706 = arith.constant 16 : i32
        %dma_wait3A_707 = arith.constant 0 : i32
        %dma_wait3A_708 = tpu.memref_slice %arg9[%dma_wait3A_706, %dma_wait3A_707] : memref<64x129xf32, #tpu.memory_space<vmem>> -> memref<8x128xf32, #tpu.memory_space<vmem>>
        tpu.wait_dma2 semaphore(%arg13 : memref<!tpu.dma_semaphore, #tpu.memory_space<semaphore_mem>>) src(%dma_wait3A_708 : memref<8x128xf32, #tpu.memory_space<vmem>>) dst(%dma_wait3A_705 : memref<8x128xf32, #tpu.memory_space<hbm>>)
        %dma_wait3A_709 = arith.constant 0 : i32
        %dma_wait3A_710 = arith.constant 3 : i32
        %dma_wait3A_711 = arith.constant 0 : i32
        %dma_wait3A_712 = arith.constant 24 : i32
        %dma_wait3A_713 = arith.constant 0 : i32
        %dma_wait3A_714 = tpu.memref_slice %arg9[%dma_wait3A_712, %dma_wait3A_713] : memref<64x129xf32, #tpu.memory_space<vmem>> -> memref<8x128xf32, #tpu.memory_space<vmem>>
        %dma_wait3A_715 = arith.constant 0 : i32
        %dma_wait3A_716 = arith.constant 0 : i32
        %dma_wait3A_717 = tpu.memref_slice %arg4[%dma_wait3A_709, %dma_wait3A_710, %dma_wait3A_711, %dma_wait3A_715, %dma_wait3A_716] : memref<50x8x128x8x128xf32, #tpu.memory_space<hbm>> -> memref<1x1x1x8x128xf32, #tpu.memory_space<hbm>>
        %dma_wait3A_718 = tpu.memref_squeeze %dma_wait3A_717 : memref<1x1x1x8x128xf32, #tpu.memory_space<hbm>> -> memref<8x128xf32, #tpu.memory_space<hbm>>
        %dma_wait3A_719 = arith.constant 0 : i32
        %dma_wait3A_720 = arith.constant 0 : i32
        %dma_wait3A_721 = tpu.memref_slice %arg4[%dma_wait3A_709, %dma_wait3A_710, %dma_wait3A_711, %dma_wait3A_719, %dma_wait3A_720] : memref<50x8x128x8x128xf32, #tpu.memory_space<hbm>> -> memref<1x1x1x8x128xf32, #tpu.memory_space<hbm>>
        %dma_wait3A_722 = tpu.memref_squeeze %dma_wait3A_721 : memref<1x1x1x8x128xf32, #tpu.memory_space<hbm>> -> memref<8x128xf32, #tpu.memory_space<hbm>>
        %dma_wait3A_723 = arith.constant 24 : i32
        %dma_wait3A_724 = arith.constant 0 : i32
        %dma_wait3A_725 = tpu.memref_slice %arg9[%dma_wait3A_723, %dma_wait3A_724] : memref<64x129xf32, #tpu.memory_space<vmem>> -> memref<8x128xf32, #tpu.memory_space<vmem>>
        tpu.wait_dma2 semaphore(%arg13 : memref<!tpu.dma_semaphore, #tpu.memory_space<semaphore_mem>>) src(%dma_wait3A_725 : memref<8x128xf32, #tpu.memory_space<vmem>>) dst(%dma_wait3A_722 : memref<8x128xf32, #tpu.memory_space<hbm>>)
        %dma_wait3A_726 = arith.constant 0 : i32
        %dma_wait3A_727 = arith.constant 4 : i32
        %dma_wait3A_728 = arith.constant 0 : i32
        %dma_wait3A_729 = arith.constant 32 : i32
        %dma_wait3A_730 = arith.constant 0 : i32
        %dma_wait3A_731 = tpu.memref_slice %arg9[%dma_wait3A_729, %dma_wait3A_730] : memref<64x129xf32, #tpu.memory_space<vmem>> -> memref<8x128xf32, #tpu.memory_space<vmem>>
        %dma_wait3A_732 = arith.constant 0 : i32
        %dma_wait3A_733 = arith.constant 0 : i32
        %dma_wait3A_734 = tpu.memref_slice %arg4[%dma_wait3A_726, %dma_wait3A_727, %dma_wait3A_728, %dma_wait3A_732, %dma_wait3A_733] : memref<50x8x128x8x128xf32, #tpu.memory_space<hbm>> -> memref<1x1x1x8x128xf32, #tpu.memory_space<hbm>>
        %dma_wait3A_735 = tpu.memref_squeeze %dma_wait3A_734 : memref<1x1x1x8x128xf32, #tpu.memory_space<hbm>> -> memref<8x128xf32, #tpu.memory_space<hbm>>
        %dma_wait3A_736 = arith.constant 0 : i32
        %dma_wait3A_737 = arith.constant 0 : i32
        %dma_wait3A_738 = tpu.memref_slice %arg4[%dma_wait3A_726, %dma_wait3A_727, %dma_wait3A_728, %dma_wait3A_736, %dma_wait3A_737] : memref<50x8x128x8x128xf32, #tpu.memory_space<hbm>> -> memref<1x1x1x8x128xf32, #tpu.memory_space<hbm>>
        %dma_wait3A_739 = tpu.memref_squeeze %dma_wait3A_738 : memref<1x1x1x8x128xf32, #tpu.memory_space<hbm>> -> memref<8x128xf32, #tpu.memory_space<hbm>>
        %dma_wait3A_740 = arith.constant 32 : i32
        %dma_wait3A_741 = arith.constant 0 : i32
        %dma_wait3A_742 = tpu.memref_slice %arg9[%dma_wait3A_740, %dma_wait3A_741] : memref<64x129xf32, #tpu.memory_space<vmem>> -> memref<8x128xf32, #tpu.memory_space<vmem>>
        tpu.wait_dma2 semaphore(%arg13 : memref<!tpu.dma_semaphore, #tpu.memory_space<semaphore_mem>>) src(%dma_wait3A_742 : memref<8x128xf32, #tpu.memory_space<vmem>>) dst(%dma_wait3A_739 : memref<8x128xf32, #tpu.memory_space<hbm>>)
        %dma_wait3A_743 = arith.constant 0 : i32
        %dma_wait3A_744 = arith.constant 5 : i32
        %dma_wait3A_745 = arith.constant 0 : i32
        %dma_wait3A_746 = arith.constant 40 : i32
        %dma_wait3A_747 = arith.constant 0 : i32
        %dma_wait3A_748 = tpu.memref_slice %arg9[%dma_wait3A_746, %dma_wait3A_747] : memref<64x129xf32, #tpu.memory_space<vmem>> -> memref<8x128xf32, #tpu.memory_space<vmem>>
        %dma_wait3A_749 = arith.constant 0 : i32
        %dma_wait3A_750 = arith.constant 0 : i32
        %dma_wait3A_751 = tpu.memref_slice %arg4[%dma_wait3A_743, %dma_wait3A_744, %dma_wait3A_745, %dma_wait3A_749, %dma_wait3A_750] : memref<50x8x128x8x128xf32, #tpu.memory_space<hbm>> -> memref<1x1x1x8x128xf32, #tpu.memory_space<hbm>>
        %dma_wait3A_752 = tpu.memref_squeeze %dma_wait3A_751 : memref<1x1x1x8x128xf32, #tpu.memory_space<hbm>> -> memref<8x128xf32, #tpu.memory_space<hbm>>
        %dma_wait3A_753 = arith.constant 0 : i32
        %dma_wait3A_754 = arith.constant 0 : i32
        %dma_wait3A_755 = tpu.memref_slice %arg4[%dma_wait3A_743, %dma_wait3A_744, %dma_wait3A_745, %dma_wait3A_753, %dma_wait3A_754] : memref<50x8x128x8x128xf32, #tpu.memory_space<hbm>> -> memref<1x1x1x8x128xf32, #tpu.memory_space<hbm>>
        %dma_wait3A_756 = tpu.memref_squeeze %dma_wait3A_755 : memref<1x1x1x8x128xf32, #tpu.memory_space<hbm>> -> memref<8x128xf32, #tpu.memory_space<hbm>>
        %dma_wait3A_757 = arith.constant 40 : i32
        %dma_wait3A_758 = arith.constant 0 : i32
        %dma_wait3A_759 = tpu.memref_slice %arg9[%dma_wait3A_757, %dma_wait3A_758] : memref<64x129xf32, #tpu.memory_space<vmem>> -> memref<8x128xf32, #tpu.memory_space<vmem>>
        tpu.wait_dma2 semaphore(%arg13 : memref<!tpu.dma_semaphore, #tpu.memory_space<semaphore_mem>>) src(%dma_wait3A_759 : memref<8x128xf32, #tpu.memory_space<vmem>>) dst(%dma_wait3A_756 : memref<8x128xf32, #tpu.memory_space<hbm>>)
        %dma_wait3A_760 = arith.constant 0 : i32
        %dma_wait3A_761 = arith.constant 6 : i32
        %dma_wait3A_762 = arith.constant 0 : i32
        %dma_wait3A_763 = arith.constant 48 : i32
        %dma_wait3A_764 = arith.constant 0 : i32
        %dma_wait3A_765 = tpu.memref_slice %arg9[%dma_wait3A_763, %dma_wait3A_764] : memref<64x129xf32, #tpu.memory_space<vmem>> -> memref<8x128xf32, #tpu.memory_space<vmem>>
        %dma_wait3A_766 = arith.constant 0 : i32
        %dma_wait3A_767 = arith.constant 0 : i32
        %dma_wait3A_768 = tpu.memref_slice %arg4[%dma_wait3A_760, %dma_wait3A_761, %dma_wait3A_762, %dma_wait3A_766, %dma_wait3A_767] : memref<50x8x128x8x128xf32, #tpu.memory_space<hbm>> -> memref<1x1x1x8x128xf32, #tpu.memory_space<hbm>>
        %dma_wait3A_769 = tpu.memref_squeeze %dma_wait3A_768 : memref<1x1x1x8x128xf32, #tpu.memory_space<hbm>> -> memref<8x128xf32, #tpu.memory_space<hbm>>
        %dma_wait3A_770 = arith.constant 0 : i32
        %dma_wait3A_771 = arith.constant 0 : i32
        %dma_wait3A_772 = tpu.memref_slice %arg4[%dma_wait3A_760, %dma_wait3A_761, %dma_wait3A_762, %dma_wait3A_770, %dma_wait3A_771] : memref<50x8x128x8x128xf32, #tpu.memory_space<hbm>> -> memref<1x1x1x8x128xf32, #tpu.memory_space<hbm>>
        %dma_wait3A_773 = tpu.memref_squeeze %dma_wait3A_772 : memref<1x1x1x8x128xf32, #tpu.memory_space<hbm>> -> memref<8x128xf32, #tpu.memory_space<hbm>>
        %dma_wait3A_774 = arith.constant 48 : i32
        %dma_wait3A_775 = arith.constant 0 : i32
        %dma_wait3A_776 = tpu.memref_slice %arg9[%dma_wait3A_774, %dma_wait3A_775] : memref<64x129xf32, #tpu.memory_space<vmem>> -> memref<8x128xf32, #tpu.memory_space<vmem>>
        tpu.wait_dma2 semaphore(%arg13 : memref<!tpu.dma_semaphore, #tpu.memory_space<semaphore_mem>>) src(%dma_wait3A_776 : memref<8x128xf32, #tpu.memory_space<vmem>>) dst(%dma_wait3A_773 : memref<8x128xf32, #tpu.memory_space<hbm>>)
        %dma_wait3A_777 = arith.constant 0 : i32
        %dma_wait3A_778 = arith.constant 7 : i32
        %dma_wait3A_779 = arith.constant 0 : i32
        %dma_wait3A_780 = arith.constant 56 : i32
        %dma_wait3A_781 = arith.constant 0 : i32
        %dma_wait3A_782 = tpu.memref_slice %arg9[%dma_wait3A_780, %dma_wait3A_781] : memref<64x129xf32, #tpu.memory_space<vmem>> -> memref<8x128xf32, #tpu.memory_space<vmem>>
        %dma_wait3A_783 = arith.constant 0 : i32
        %dma_wait3A_784 = arith.constant 0 : i32
        %dma_wait3A_785 = tpu.memref_slice %arg4[%dma_wait3A_777, %dma_wait3A_778, %dma_wait3A_779, %dma_wait3A_783, %dma_wait3A_784] : memref<50x8x128x8x128xf32, #tpu.memory_space<hbm>> -> memref<1x1x1x8x128xf32, #tpu.memory_space<hbm>>
        %dma_wait3A_786 = tpu.memref_squeeze %dma_wait3A_785 : memref<1x1x1x8x128xf32, #tpu.memory_space<hbm>> -> memref<8x128xf32, #tpu.memory_space<hbm>>
        %dma_wait3A_787 = arith.constant 0 : i32
        %dma_wait3A_788 = arith.constant 0 : i32
        %dma_wait3A_789 = tpu.memref_slice %arg4[%dma_wait3A_777, %dma_wait3A_778, %dma_wait3A_779, %dma_wait3A_787, %dma_wait3A_788] : memref<50x8x128x8x128xf32, #tpu.memory_space<hbm>> -> memref<1x1x1x8x128xf32, #tpu.memory_space<hbm>>
        %dma_wait3A_790 = tpu.memref_squeeze %dma_wait3A_789 : memref<1x1x1x8x128xf32, #tpu.memory_space<hbm>> -> memref<8x128xf32, #tpu.memory_space<hbm>>
        %dma_wait3A_791 = arith.constant 56 : i32
        %dma_wait3A_792 = arith.constant 0 : i32
        %dma_wait3A_793 = tpu.memref_slice %arg9[%dma_wait3A_791, %dma_wait3A_792] : memref<64x129xf32, #tpu.memory_space<vmem>> -> memref<8x128xf32, #tpu.memory_space<vmem>>
        tpu.wait_dma2 semaphore(%arg13 : memref<!tpu.dma_semaphore, #tpu.memory_space<semaphore_mem>>) src(%dma_wait3A_793 : memref<8x128xf32, #tpu.memory_space<vmem>>) dst(%dma_wait3A_790 : memref<8x128xf32, #tpu.memory_space<hbm>>)
      } else {
      }
      %parallel_loop3A_492 = arith.constant 0 : i32
      %parallel_loop3A_493 = arith.constant 128 : i32
      %parallel_loop3A_494 = arith.constant 1 : i32
      scf.for %parallel_loop3A_658 = %parallel_loop3A_492 to %parallel_loop3A_493 step %parallel_loop3A_494  : i32 {
        %parallel_loop3A_659 = arith.constant 0 : i32
        %parallel_loop3A_660 = vector.broadcast %parallel_loop3A_659 : i32 to vector<16xi32>
        %parallel_loop3A_661 = vector.broadcast %parallel_loop3A_658 : i32 to vector<16xi32>
        %parallel_loop3A_662 = arith.addi %parallel_loop3A_660, %parallel_loop3A_661 : vector<16xi32>
        %parallel_loop3A_663 = arith.index_cast %parallel_loop3A_658 : i32 to index
        %parallel_loop3A_664 = arith.constant 0 : index
        %parallel_loop3A_665 = tpu.vector_load %arg7[%parallel_loop3A_663, %parallel_loop3A_664] {strides = array<i32>} : memref<128x64xf32, #tpu.memory_space<vmem>>, vector<16xf32>,
        tpu.vector_store_idx %arg9[%add3A_7, %parallel_loop3A_662], %parallel_loop3A_665 : memref<64x129xf32, #tpu.memory_space<vmem>>[vector<16xi32>, vector<16xi32>], vector<16xf32>,
        %parallel_loop3A_666 = arith.index_cast %parallel_loop3A_658 : i32 to index
        %parallel_loop3A_667 = arith.constant 16 : index
        %parallel_loop3A_668 = tpu.vector_load %arg7[%parallel_loop3A_666, %parallel_loop3A_667] {strides = array<i32>} : memref<128x64xf32, #tpu.memory_space<vmem>>, vector<16xf32>,
        tpu.vector_store_idx %arg9[%add3A_10, %parallel_loop3A_662], %parallel_loop3A_668 : memref<64x129xf32, #tpu.memory_space<vmem>>[vector<16xi32>, vector<16xi32>], vector<16xf32>,
        %parallel_loop3A_669 = arith.index_cast %parallel_loop3A_658 : i32 to index
        %parallel_loop3A_670 = arith.constant 32 : index
        %parallel_loop3A_671 = tpu.vector_load %arg7[%parallel_loop3A_669, %parallel_loop3A_670] {strides = array<i32>} : memref<128x64xf32, #tpu.memory_space<vmem>>, vector<16xf32>,
        tpu.vector_store_idx %arg9[%add3A_13, %parallel_loop3A_662], %parallel_loop3A_671 : memref<64x129xf32, #tpu.memory_space<vmem>>[vector<16xi32>, vector<16xi32>], vector<16xf32>,
        %parallel_loop3A_672 = arith.index_cast %parallel_loop3A_658 : i32 to index
        %parallel_loop3A_673 = arith.constant 48 : index
        %parallel_loop3A_674 = tpu.vector_load %arg7[%parallel_loop3A_672, %parallel_loop3A_673] {strides = array<i32>} : memref<128x64xf32, #tpu.memory_space<vmem>>, vector<16xf32>,
        tpu.vector_store_idx %arg9[%add3A_16, %parallel_loop3A_662], %parallel_loop3A_674 : memref<64x129xf32, #tpu.memory_space<vmem>>[vector<16xi32>, vector<16xi32>], vector<16xf32>,
      } {sc.loop_unroll_factor = 1 : i64, sc.parallel_access}
      %barrier3A_495 = arith.constant 0 : index
      tpu.barrier barrier_id(%barrier3A_495)
      %add3A_496 = arith.addi %mul3A_2, %add3A_474 : i32
      %jit3A_497 = arith.constant 128 : i32
      %div3A_498 = arith.divsi %add3A_496, %jit3A_497 : i32
      %sign3A_499 = arith.constant 0 : i32
      %sign3A_500 = arith.cmpi sgt, %add3A_496, %sign3A_499 : i32
      %sign3A_501 = arith.extui %sign3A_500 : i1 to i32
      %sign3A_502 = arith.constant 0 : i32
      %sign3A_503 = arith.cmpi slt, %add3A_496, %sign3A_502 : i32
      %sign3A_504 = arith.extui %sign3A_503 : i1 to i32
      %sign3A_505 = arith.subi %sign3A_501, %sign3A_504 : i32
      %sign3A_506 = arith.constant 0 : i32
      %sign3A_507 = arith.cmpi sgt, %jit3A_497, %sign3A_506 : i32
      %sign3A_508 = arith.extui %sign3A_507 : i1 to i32
      %sign3A_509 = arith.constant 0 : i32
      %sign3A_510 = arith.cmpi slt, %jit3A_497, %sign3A_509 : i32
      %sign3A_511 = arith.extui %sign3A_510 : i1 to i32
      %sign3A_512 = arith.subi %sign3A_508, %sign3A_511 : i32
      %ne3A_513 = arith.cmpi ne, %sign3A_505, %sign3A_512 : i32
      %rem3A_514 = arith.remsi %add3A_496, %jit3A_497 : i32
      %ne3A_515 = arith.constant 0 : i32
      %ne3A_516 = arith.cmpi ne, %rem3A_514, %ne3A_515 : i32
      %and3A_517 = arith.andi %ne3A_513, %ne3A_516 : i1
      %sub3A_518 = arith.constant 1 : i32
      %sub3A_519 = arith.subi %div3A_498, %sub3A_518 : i32
      %select_n3A_520 = arith.select %and3A_517, %sub3A_519, %div3A_498 : i32
      %jit3A_521 = arith.constant 128 : i32
      %eq3A_522 = arith.constant 0 : i32
      %eq3A_523 = arith.cmpi eq, %jit3A_521, %eq3A_522 : i32
      %jit3A_524 = arith.constant 1 : i32
      %select_n3A_525 = arith.select %eq3A_523, %jit3A_524, %jit3A_521 : i32
      %rem3A_526 = arith.remsi %add3A_496, %select_n3A_525 : i32
      %ne3A_527 = arith.constant 0 : i32
      %ne3A_528 = arith.cmpi ne, %rem3A_526, %ne3A_527 : i32
      %lt3A_529 = arith.constant 0 : i32
      %lt3A_530 = arith.cmpi slt, %rem3A_526, %lt3A_529 : i32
      %lt3A_531 = arith.constant 0 : i32
      %lt3A_532 = arith.cmpi slt, %select_n3A_525, %lt3A_531 : i32
      %ne3A_533 = arith.xori %lt3A_530, %lt3A_532 : i1
      %and3A_534 = arith.andi %ne3A_533, %ne3A_528 : i1
      %add3A_535 = arith.addi %rem3A_526, %select_n3A_525 : i32
      %select_n3A_536 = arith.select %and3A_534, %add3A_535, %rem3A_526 : i32
      %dma_start3A_537 = arith.constant 0 : i32
      %dma_start3A_538 = arith.constant 0 : i32
      %dma_start3A_539 = arith.constant 0 : i32
      %dma_start3A_540 = tpu.memref_slice %arg9[%dma_start3A_538, %dma_start3A_539] : memref<64x129xf32, #tpu.memory_space<vmem>> -> memref<8x128xf32, #tpu.memory_space<vmem>>
      %dma_start3A_541 = arith.constant 0 : i32
      %dma_start3A_542 = arith.constant 0 : i32
      %dma_start3A_543 = tpu.memref_slice %arg4[%select_n3A_520, %dma_start3A_537, %select_n3A_536, %dma_start3A_541, %dma_start3A_542] : memref<50x8x128x8x128xf32, #tpu.memory_space<hbm>> -> memref<1x1x1x8x128xf32, #tpu.memory_space<hbm>>
      %dma_start3A_544 = tpu.memref_squeeze %dma_start3A_543 : memref<1x1x1x8x128xf32, #tpu.memory_space<hbm>> -> memref<8x128xf32, #tpu.memory_space<hbm>>
      %dma_start3A_545 = arith.constant 0 : i32
      %dma_start3A_546 = arith.constant 0 : i32
      %dma_start3A_547 = tpu.memref_slice %arg4[%select_n3A_520, %dma_start3A_537, %select_n3A_536, %dma_start3A_545, %dma_start3A_546] : memref<50x8x128x8x128xf32, #tpu.memory_space<hbm>> -> memref<1x1x1x8x128xf32, #tpu.memory_space<hbm>>
      %dma_start3A_548 = tpu.memref_squeeze %dma_start3A_547 : memref<1x1x1x8x128xf32, #tpu.memory_space<hbm>> -> memref<8x128xf32, #tpu.memory_space<hbm>>
      %dma_start3A_549 = arith.constant 0 : i32
      %dma_start3A_550 = arith.constant 0 : i32
      %dma_start3A_551 = tpu.memref_slice %arg9[%dma_start3A_549, %dma_start3A_550] : memref<64x129xf32, #tpu.memory_space<vmem>> -> memref<8x128xf32, #tpu.memory_space<vmem>>
      tpu.enqueue_dma source(%dma_start3A_551 : memref<8x128xf32, #tpu.memory_space<vmem>>) target(%dma_start3A_548 : memref<8x128xf32, #tpu.memory_space<hbm>>) target_semaphore(%arg13 : memref<!tpu.dma_semaphore, #tpu.memory_space<semaphore_mem>>)
      %dma_start3A_552 = arith.constant 1 : i32
      %dma_start3A_553 = arith.constant 8 : i32
      %dma_start3A_554 = arith.constant 0 : i32
      %dma_start3A_555 = tpu.memref_slice %arg9[%dma_start3A_553, %dma_start3A_554] : memref<64x129xf32, #tpu.memory_space<vmem>> -> memref<8x128xf32, #tpu.memory_space<vmem>>
      %dma_start3A_556 = arith.constant 0 : i32
      %dma_start3A_557 = arith.constant 0 : i32
      %dma_start3A_558 = tpu.memref_slice %arg4[%select_n3A_520, %dma_start3A_552, %select_n3A_536, %dma_start3A_556, %dma_start3A_557] : memref<50x8x128x8x128xf32, #tpu.memory_space<hbm>> -> memref<1x1x1x8x128xf32, #tpu.memory_space<hbm>>
      %dma_start3A_559 = tpu.memref_squeeze %dma_start3A_558 : memref<1x1x1x8x128xf32, #tpu.memory_space<hbm>> -> memref<8x128xf32, #tpu.memory_space<hbm>>
      %dma_start3A_560 = arith.constant 0 : i32
      %dma_start3A_561 = arith.constant 0 : i32
      %dma_start3A_562 = tpu.memref_slice %arg4[%select_n3A_520, %dma_start3A_552, %select_n3A_536, %dma_start3A_560, %dma_start3A_561] : memref<50x8x128x8x128xf32, #tpu.memory_space<hbm>> -> memref<1x1x1x8x128xf32, #tpu.memory_space<hbm>>
      %dma_start3A_563 = tpu.memref_squeeze %dma_start3A_562 : memref<1x1x1x8x128xf32, #tpu.memory_space<hbm>> -> memref<8x128xf32, #tpu.memory_space<hbm>>
      %dma_start3A_564 = arith.constant 8 : i32
      %dma_start3A_565 = arith.constant 0 : i32
      %dma_start3A_566 = tpu.memref_slice %arg9[%dma_start3A_564, %dma_start3A_565] : memref<64x129xf32, #tpu.memory_space<vmem>> -> memref<8x128xf32, #tpu.memory_space<vmem>>
      tpu.enqueue_dma source(%dma_start3A_566 : memref<8x128xf32, #tpu.memory_space<vmem>>) target(%dma_start3A_563 : memref<8x128xf32, #tpu.memory_space<hbm>>) target_semaphore(%arg13 : memref<!tpu.dma_semaphore, #tpu.memory_space<semaphore_mem>>)
      %dma_start3A_567 = arith.constant 2 : i32
      %dma_start3A_568 = arith.constant 16 : i32
      %dma_start3A_569 = arith.constant 0 : i32
      %dma_start3A_570 = tpu.memref_slice %arg9[%dma_start3A_568, %dma_start3A_569] : memref<64x129xf32, #tpu.memory_space<vmem>> -> memref<8x128xf32, #tpu.memory_space<vmem>>
      %dma_start3A_571 = arith.constant 0 : i32
      %dma_start3A_572 = arith.constant 0 : i32
      %dma_start3A_573 = tpu.memref_slice %arg4[%select_n3A_520, %dma_start3A_567, %select_n3A_536, %dma_start3A_571, %dma_start3A_572] : memref<50x8x128x8x128xf32, #tpu.memory_space<hbm>> -> memref<1x1x1x8x128xf32, #tpu.memory_space<hbm>>
      %dma_start3A_574 = tpu.memref_squeeze %dma_start3A_573 : memref<1x1x1x8x128xf32, #tpu.memory_space<hbm>> -> memref<8x128xf32, #tpu.memory_space<hbm>>
      %dma_start3A_575 = arith.constant 0 : i32
      %dma_start3A_576 = arith.constant 0 : i32
      %dma_start3A_577 = tpu.memref_slice %arg4[%select_n3A_520, %dma_start3A_567, %select_n3A_536, %dma_start3A_575, %dma_start3A_576] : memref<50x8x128x8x128xf32, #tpu.memory_space<hbm>> -> memref<1x1x1x8x128xf32, #tpu.memory_space<hbm>>
      %dma_start3A_578 = tpu.memref_squeeze %dma_start3A_577 : memref<1x1x1x8x128xf32, #tpu.memory_space<hbm>> -> memref<8x128xf32, #tpu.memory_space<hbm>>
      %dma_start3A_579 = arith.constant 16 : i32
      %dma_start3A_580 = arith.constant 0 : i32
      %dma_start3A_581 = tpu.memref_slice %arg9[%dma_start3A_579, %dma_start3A_580] : memref<64x129xf32, #tpu.memory_space<vmem>> -> memref<8x128xf32, #tpu.memory_space<vmem>>
      tpu.enqueue_dma source(%dma_start3A_581 : memref<8x128xf32, #tpu.memory_space<vmem>>) target(%dma_start3A_578 : memref<8x128xf32, #tpu.memory_space<hbm>>) target_semaphore(%arg13 : memref<!tpu.dma_semaphore, #tpu.memory_space<semaphore_mem>>)
      %dma_start3A_582 = arith.constant 3 : i32
      %dma_start3A_583 = arith.constant 24 : i32
      %dma_start3A_584 = arith.constant 0 : i32
      %dma_start3A_585 = tpu.memref_slice %arg9[%dma_start3A_583, %dma_start3A_584] : memref<64x129xf32, #tpu.memory_space<vmem>> -> memref<8x128xf32, #tpu.memory_space<vmem>>
      %dma_start3A_586 = arith.constant 0 : i32
      %dma_start3A_587 = arith.constant 0 : i32
      %dma_start3A_588 = tpu.memref_slice %arg4[%select_n3A_520, %dma_start3A_582, %select_n3A_536, %dma_start3A_586, %dma_start3A_587] : memref<50x8x128x8x128xf32, #tpu.memory_space<hbm>> -> memref<1x1x1x8x128xf32, #tpu.memory_space<hbm>>
      %dma_start3A_589 = tpu.memref_squeeze %dma_start3A_588 : memref<1x1x1x8x128xf32, #tpu.memory_space<hbm>> -> memref<8x128xf32, #tpu.memory_space<hbm>>
      %dma_start3A_590 = arith.constant 0 : i32
      %dma_start3A_591 = arith.constant 0 : i32
      %dma_start3A_592 = tpu.memref_slice %arg4[%select_n3A_520, %dma_start3A_582, %select_n3A_536, %dma_start3A_590, %dma_start3A_591] : memref<50x8x128x8x128xf32, #tpu.memory_space<hbm>> -> memref<1x1x1x8x128xf32, #tpu.memory_space<hbm>>
      %dma_start3A_593 = tpu.memref_squeeze %dma_start3A_592 : memref<1x1x1x8x128xf32, #tpu.memory_space<hbm>> -> memref<8x128xf32, #tpu.memory_space<hbm>>
      %dma_start3A_594 = arith.constant 24 : i32
      %dma_start3A_595 = arith.constant 0 : i32
      %dma_start3A_596 = tpu.memref_slice %arg9[%dma_start3A_594, %dma_start3A_595] : memref<64x129xf32, #tpu.memory_space<vmem>> -> memref<8x128xf32, #tpu.memory_space<vmem>>
      tpu.enqueue_dma source(%dma_start3A_596 : memref<8x128xf32, #tpu.memory_space<vmem>>) target(%dma_start3A_593 : memref<8x128xf32, #tpu.memory_space<hbm>>) target_semaphore(%arg13 : memref<!tpu.dma_semaphore, #tpu.memory_space<semaphore_mem>>)
      %dma_start3A_597 = arith.constant 4 : i32
      %dma_start3A_598 = arith.constant 32 : i32
      %dma_start3A_599 = arith.constant 0 : i32
      %dma_start3A_600 = tpu.memref_slice %arg9[%dma_start3A_598, %dma_start3A_599] : memref<64x129xf32, #tpu.memory_space<vmem>> -> memref<8x128xf32, #tpu.memory_space<vmem>>
      %dma_start3A_601 = arith.constant 0 : i32
      %dma_start3A_602 = arith.constant 0 : i32
      %dma_start3A_603 = tpu.memref_slice %arg4[%select_n3A_520, %dma_start3A_597, %select_n3A_536, %dma_start3A_601, %dma_start3A_602] : memref<50x8x128x8x128xf32, #tpu.memory_space<hbm>> -> memref<1x1x1x8x128xf32, #tpu.memory_space<hbm>>
      %dma_start3A_604 = tpu.memref_squeeze %dma_start3A_603 : memref<1x1x1x8x128xf32, #tpu.memory_space<hbm>> -> memref<8x128xf32, #tpu.memory_space<hbm>>
      %dma_start3A_605 = arith.constant 0 : i32
      %dma_start3A_606 = arith.constant 0 : i32
      %dma_start3A_607 = tpu.memref_slice %arg4[%select_n3A_520, %dma_start3A_597, %select_n3A_536, %dma_start3A_605, %dma_start3A_606] : memref<50x8x128x8x128xf32, #tpu.memory_space<hbm>> -> memref<1x1x1x8x128xf32, #tpu.memory_space<hbm>>
      %dma_start3A_608 = tpu.memref_squeeze %dma_start3A_607 : memref<1x1x1x8x128xf32, #tpu.memory_space<hbm>> -> memref<8x128xf32, #tpu.memory_space<hbm>>
      %dma_start3A_609 = arith.constant 32 : i32
      %dma_start3A_610 = arith.constant 0 : i32
      %dma_start3A_611 = tpu.memref_slice %arg9[%dma_start3A_609, %dma_start3A_610] : memref<64x129xf32, #tpu.memory_space<vmem>> -> memref<8x128xf32, #tpu.memory_space<vmem>>
      tpu.enqueue_dma source(%dma_start3A_611 : memref<8x128xf32, #tpu.memory_space<vmem>>) target(%dma_start3A_608 : memref<8x128xf32, #tpu.memory_space<hbm>>) target_semaphore(%arg13 : memref<!tpu.dma_semaphore, #tpu.memory_space<semaphore_mem>>)
      %dma_start3A_612 = arith.constant 5 : i32
      %dma_start3A_613 = arith.constant 40 : i32
      %dma_start3A_614 = arith.constant 0 : i32
      %dma_start3A_615 = tpu.memref_slice %arg9[%dma_start3A_613, %dma_start3A_614] : memref<64x129xf32, #tpu.memory_space<vmem>> -> memref<8x128xf32, #tpu.memory_space<vmem>>
      %dma_start3A_616 = arith.constant 0 : i32
      %dma_start3A_617 = arith.constant 0 : i32
      %dma_start3A_618 = tpu.memref_slice %arg4[%select_n3A_520, %dma_start3A_612, %select_n3A_536, %dma_start3A_616, %dma_start3A_617] : memref<50x8x128x8x128xf32, #tpu.memory_space<hbm>> -> memref<1x1x1x8x128xf32, #tpu.memory_space<hbm>>
      %dma_start3A_619 = tpu.memref_squeeze %dma_start3A_618 : memref<1x1x1x8x128xf32, #tpu.memory_space<hbm>> -> memref<8x128xf32, #tpu.memory_space<hbm>>
      %dma_start3A_620 = arith.constant 0 : i32
      %dma_start3A_621 = arith.constant 0 : i32
      %dma_start3A_622 = tpu.memref_slice %arg4[%select_n3A_520, %dma_start3A_612, %select_n3A_536, %dma_start3A_620, %dma_start3A_621] : memref<50x8x128x8x128xf32, #tpu.memory_space<hbm>> -> memref<1x1x1x8x128xf32, #tpu.memory_space<hbm>>
      %dma_start3A_623 = tpu.memref_squeeze %dma_start3A_622 : memref<1x1x1x8x128xf32, #tpu.memory_space<hbm>> -> memref<8x128xf32, #tpu.memory_space<hbm>>
      %dma_start3A_624 = arith.constant 40 : i32
      %dma_start3A_625 = arith.constant 0 : i32
      %dma_start3A_626 = tpu.memref_slice %arg9[%dma_start3A_624, %dma_start3A_625] : memref<64x129xf32, #tpu.memory_space<vmem>> -> memref<8x128xf32, #tpu.memory_space<vmem>>
      tpu.enqueue_dma source(%dma_start3A_626 : memref<8x128xf32, #tpu.memory_space<vmem>>) target(%dma_start3A_623 : memref<8x128xf32, #tpu.memory_space<hbm>>) target_semaphore(%arg13 : memref<!tpu.dma_semaphore, #tpu.memory_space<semaphore_mem>>)
      %dma_start3A_627 = arith.constant 6 : i32
      %dma_start3A_628 = arith.constant 48 : i32
      %dma_start3A_629 = arith.constant 0 : i32
      %dma_start3A_630 = tpu.memref_slice %arg9[%dma_start3A_628, %dma_start3A_629] : memref<64x129xf32, #tpu.memory_space<vmem>> -> memref<8x128xf32, #tpu.memory_space<vmem>>
      %dma_start3A_631 = arith.constant 0 : i32
      %dma_start3A_632 = arith.constant 0 : i32
      %dma_start3A_633 = tpu.memref_slice %arg4[%select_n3A_520, %dma_start3A_627, %select_n3A_536, %dma_start3A_631, %dma_start3A_632] : memref<50x8x128x8x128xf32, #tpu.memory_space<hbm>> -> memref<1x1x1x8x128xf32, #tpu.memory_space<hbm>>
      %dma_start3A_634 = tpu.memref_squeeze %dma_start3A_633 : memref<1x1x1x8x128xf32, #tpu.memory_space<hbm>> -> memref<8x128xf32, #tpu.memory_space<hbm>>
      %dma_start3A_635 = arith.constant 0 : i32
      %dma_start3A_636 = arith.constant 0 : i32
      %dma_start3A_637 = tpu.memref_slice %arg4[%select_n3A_520, %dma_start3A_627, %select_n3A_536, %dma_start3A_635, %dma_start3A_636] : memref<50x8x128x8x128xf32, #tpu.memory_space<hbm>> -> memref<1x1x1x8x128xf32, #tpu.memory_space<hbm>>
      %dma_start3A_638 = tpu.memref_squeeze %dma_start3A_637 : memref<1x1x1x8x128xf32, #tpu.memory_space<hbm>> -> memref<8x128xf32, #tpu.memory_space<hbm>>
      %dma_start3A_639 = arith.constant 48 : i32
      %dma_start3A_640 = arith.constant 0 : i32
      %dma_start3A_641 = tpu.memref_slice %arg9[%dma_start3A_639, %dma_start3A_640] : memref<64x129xf32, #tpu.memory_space<vmem>> -> memref<8x128xf32, #tpu.memory_space<vmem>>
      tpu.enqueue_dma source(%dma_start3A_641 : memref<8x128xf32, #tpu.memory_space<vmem>>) target(%dma_start3A_638 : memref<8x128xf32, #tpu.memory_space<hbm>>) target_semaphore(%arg13 : memref<!tpu.dma_semaphore, #tpu.memory_space<semaphore_mem>>)
      %dma_start3A_642 = arith.constant 7 : i32
      %dma_start3A_643 = arith.constant 56 : i32
      %dma_start3A_644 = arith.constant 0 : i32
      %dma_start3A_645 = tpu.memref_slice %arg9[%dma_start3A_643, %dma_start3A_644] : memref<64x129xf32, #tpu.memory_space<vmem>> -> memref<8x128xf32, #tpu.memory_space<vmem>>
      %dma_start3A_646 = arith.constant 0 : i32
      %dma_start3A_647 = arith.constant 0 : i32
      %dma_start3A_648 = tpu.memref_slice %arg4[%select_n3A_520, %dma_start3A_642, %select_n3A_536, %dma_start3A_646, %dma_start3A_647] : memref<50x8x128x8x128xf32, #tpu.memory_space<hbm>> -> memref<1x1x1x8x128xf32, #tpu.memory_space<hbm>>
      %dma_start3A_649 = tpu.memref_squeeze %dma_start3A_648 : memref<1x1x1x8x128xf32, #tpu.memory_space<hbm>> -> memref<8x128xf32, #tpu.memory_space<hbm>>
      %dma_start3A_650 = arith.constant 0 : i32
      %dma_start3A_651 = arith.constant 0 : i32
      %dma_start3A_652 = tpu.memref_slice %arg4[%select_n3A_520, %dma_start3A_642, %select_n3A_536, %dma_start3A_650, %dma_start3A_651] : memref<50x8x128x8x128xf32, #tpu.memory_space<hbm>> -> memref<1x1x1x8x128xf32, #tpu.memory_space<hbm>>
      %dma_start3A_653 = tpu.memref_squeeze %dma_start3A_652 : memref<1x1x1x8x128xf32, #tpu.memory_space<hbm>> -> memref<8x128xf32, #tpu.memory_space<hbm>>
      %dma_start3A_654 = arith.constant 56 : i32
      %dma_start3A_655 = arith.constant 0 : i32
      %dma_start3A_656 = tpu.memref_slice %arg9[%dma_start3A_654, %dma_start3A_655] : memref<64x129xf32, #tpu.memory_space<vmem>> -> memref<8x128xf32, #tpu.memory_space<vmem>>
      tpu.enqueue_dma source(%dma_start3A_656 : memref<8x128xf32, #tpu.memory_space<vmem>>) target(%dma_start3A_653 : memref<8x128xf32, #tpu.memory_space<hbm>>) target_semaphore(%arg13 : memref<!tpu.dma_semaphore, #tpu.memory_space<semaphore_mem>>)
      %scan3A_657 = arith.constant 0 : i32
      scf.yield %scan3A_657 : i32
    }
    %scan3A_26 = arith.constant 100 : i32
    %dma_wait3A = arith.constant 0 : i32
    %dma_wait3A_27 = arith.constant 0 : i32
    %dma_wait3A_28 = arith.constant 0 : i32
    %dma_wait3A_29 = arith.constant 0 : i32
    %dma_wait3A_30 = arith.constant 0 : i32
    %dma_wait3A_31 = tpu.memref_slice %arg8[%dma_wait3A_29, %dma_wait3A_30] : memref<64x129xf32, #tpu.memory_space<vmem>> -> memref<8x128xf32, #tpu.memory_space<vmem>>
    %dma_wait3A_32 = arith.constant 0 : i32
    %dma_wait3A_33 = arith.constant 0 : i32
    %dma_wait3A_34 = tpu.memref_slice %arg4[%dma_wait3A, %dma_wait3A_27, %dma_wait3A_28, %dma_wait3A_32, %dma_wait3A_33] : memref<50x8x128x8x128xf32, #tpu.memory_space<hbm>> -> memref<1x1x1x8x128xf32, #tpu.memory_space<hbm>>
    %dma_wait3A_35 = tpu.memref_squeeze %dma_wait3A_34 : memref<1x1x1x8x128xf32, #tpu.memory_space<hbm>> -> memref<8x128xf32, #tpu.memory_space<hbm>>
    %dma_wait3A_36 = arith.constant 0 : i32
    %dma_wait3A_37 = arith.constant 0 : i32
    %dma_wait3A_38 = tpu.memref_slice %arg4[%dma_wait3A, %dma_wait3A_27, %dma_wait3A_28, %dma_wait3A_36, %dma_wait3A_37] : memref<50x8x128x8x128xf32, #tpu.memory_space<hbm>> -> memref<1x1x1x8x128xf32, #tpu.memory_space<hbm>>
    %dma_wait3A_39 = tpu.memref_squeeze %dma_wait3A_38 : memref<1x1x1x8x128xf32, #tpu.memory_space<hbm>> -> memref<8x128xf32, #tpu.memory_space<hbm>>
    %dma_wait3A_40 = arith.constant 0 : i32
    %dma_wait3A_41 = arith.constant 0 : i32
    %dma_wait3A_42 = tpu.memref_slice %arg8[%dma_wait3A_40, %dma_wait3A_41] : memref<64x129xf32, #tpu.memory_space<vmem>> -> memref<8x128xf32, #tpu.memory_space<vmem>>
    tpu.wait_dma2 semaphore(%arg12 : memref<!tpu.dma_semaphore, #tpu.memory_space<semaphore_mem>>) src(%dma_wait3A_42 : memref<8x128xf32, #tpu.memory_space<vmem>>) dst(%dma_wait3A_39 : memref<8x128xf32, #tpu.memory_space<hbm>>)
    %dma_wait3A_43 = arith.constant 0 : i32
    %dma_wait3A_44 = arith.constant 1 : i32
    %dma_wait3A_45 = arith.constant 0 : i32
    %dma_wait3A_46 = arith.constant 8 : i32
    %dma_wait3A_47 = arith.constant 0 : i32
    %dma_wait3A_48 = tpu.memref_slice %arg8[%dma_wait3A_46, %dma_wait3A_47] : memref<64x129xf32, #tpu.memory_space<vmem>> -> memref<8x128xf32, #tpu.memory_space<vmem>>
    %dma_wait3A_49 = arith.constant 0 : i32
    %dma_wait3A_50 = arith.constant 0 : i32
    %dma_wait3A_51 = tpu.memref_slice %arg4[%dma_wait3A_43, %dma_wait3A_44, %dma_wait3A_45, %dma_wait3A_49, %dma_wait3A_50] : memref<50x8x128x8x128xf32, #tpu.memory_space<hbm>> -> memref<1x1x1x8x128xf32, #tpu.memory_space<hbm>>
    %dma_wait3A_52 = tpu.memref_squeeze %dma_wait3A_51 : memref<1x1x1x8x128xf32, #tpu.memory_space<hbm>> -> memref<8x128xf32, #tpu.memory_space<hbm>>
    %dma_wait3A_53 = arith.constant 0 : i32
    %dma_wait3A_54 = arith.constant 0 : i32
    %dma_wait3A_55 = tpu.memref_slice %arg4[%dma_wait3A_43, %dma_wait3A_44, %dma_wait3A_45, %dma_wait3A_53, %dma_wait3A_54] : memref<50x8x128x8x128xf32, #tpu.memory_space<hbm>> -> memref<1x1x1x8x128xf32, #tpu.memory_space<hbm>>
    %dma_wait3A_56 = tpu.memref_squeeze %dma_wait3A_55 : memref<1x1x1x8x128xf32, #tpu.memory_space<hbm>> -> memref<8x128xf32, #tpu.memory_space<hbm>>
    %dma_wait3A_57 = arith.constant 8 : i32
    %dma_wait3A_58 = arith.constant 0 : i32
    %dma_wait3A_59 = tpu.memref_slice %arg8[%dma_wait3A_57, %dma_wait3A_58] : memref<64x129xf32, #tpu.memory_space<vmem>> -> memref<8x128xf32, #tpu.memory_space<vmem>>
    tpu.wait_dma2 semaphore(%arg12 : memref<!tpu.dma_semaphore, #tpu.memory_space<semaphore_mem>>) src(%dma_wait3A_59 : memref<8x128xf32, #tpu.memory_space<vmem>>) dst(%dma_wait3A_56 : memref<8x128xf32, #tpu.memory_space<hbm>>)
    %dma_wait3A_60 = arith.constant 0 : i32
    %dma_wait3A_61 = arith.constant 2 : i32
    %dma_wait3A_62 = arith.constant 0 : i32
    %dma_wait3A_63 = arith.constant 16 : i32
    %dma_wait3A_64 = arith.constant 0 : i32
    %dma_wait3A_65 = tpu.memref_slice %arg8[%dma_wait3A_63, %dma_wait3A_64] : memref<64x129xf32, #tpu.memory_space<vmem>> -> memref<8x128xf32, #tpu.memory_space<vmem>>
    %dma_wait3A_66 = arith.constant 0 : i32
    %dma_wait3A_67 = arith.constant 0 : i32
    %dma_wait3A_68 = tpu.memref_slice %arg4[%dma_wait3A_60, %dma_wait3A_61, %dma_wait3A_62, %dma_wait3A_66, %dma_wait3A_67] : memref<50x8x128x8x128xf32, #tpu.memory_space<hbm>> -> memref<1x1x1x8x128xf32, #tpu.memory_space<hbm>>
    %dma_wait3A_69 = tpu.memref_squeeze %dma_wait3A_68 : memref<1x1x1x8x128xf32, #tpu.memory_space<hbm>> -> memref<8x128xf32, #tpu.memory_space<hbm>>
    %dma_wait3A_70 = arith.constant 0 : i32
    %dma_wait3A_71 = arith.constant 0 : i32
    %dma_wait3A_72 = tpu.memref_slice %arg4[%dma_wait3A_60, %dma_wait3A_61, %dma_wait3A_62, %dma_wait3A_70, %dma_wait3A_71] : memref<50x8x128x8x128xf32, #tpu.memory_space<hbm>> -> memref<1x1x1x8x128xf32, #tpu.memory_space<hbm>>
    %dma_wait3A_73 = tpu.memref_squeeze %dma_wait3A_72 : memref<1x1x1x8x128xf32, #tpu.memory_space<hbm>> -> memref<8x128xf32, #tpu.memory_space<hbm>>
    %dma_wait3A_74 = arith.constant 16 : i32
    %dma_wait3A_75 = arith.constant 0 : i32
    %dma_wait3A_76 = tpu.memref_slice %arg8[%dma_wait3A_74, %dma_wait3A_75] : memref<64x129xf32, #tpu.memory_space<vmem>> -> memref<8x128xf32, #tpu.memory_space<vmem>>
    tpu.wait_dma2 semaphore(%arg12 : memref<!tpu.dma_semaphore, #tpu.memory_space<semaphore_mem>>) src(%dma_wait3A_76 : memref<8x128xf32, #tpu.memory_space<vmem>>) dst(%dma_wait3A_73 : memref<8x128xf32, #tpu.memory_space<hbm>>)
    %dma_wait3A_77 = arith.constant 0 : i32
    %dma_wait3A_78 = arith.constant 3 : i32
    %dma_wait3A_79 = arith.constant 0 : i32
    %dma_wait3A_80 = arith.constant 24 : i32
    %dma_wait3A_81 = arith.constant 0 : i32
    %dma_wait3A_82 = tpu.memref_slice %arg8[%dma_wait3A_80, %dma_wait3A_81] : memref<64x129xf32, #tpu.memory_space<vmem>> -> memref<8x128xf32, #tpu.memory_space<vmem>>
    %dma_wait3A_83 = arith.constant 0 : i32
    %dma_wait3A_84 = arith.constant 0 : i32
    %dma_wait3A_85 = tpu.memref_slice %arg4[%dma_wait3A_77, %dma_wait3A_78, %dma_wait3A_79, %dma_wait3A_83, %dma_wait3A_84] : memref<50x8x128x8x128xf32, #tpu.memory_space<hbm>> -> memref<1x1x1x8x128xf32, #tpu.memory_space<hbm>>
    %dma_wait3A_86 = tpu.memref_squeeze %dma_wait3A_85 : memref<1x1x1x8x128xf32, #tpu.memory_space<hbm>> -> memref<8x128xf32, #tpu.memory_space<hbm>>
    %dma_wait3A_87 = arith.constant 0 : i32
    %dma_wait3A_88 = arith.constant 0 : i32
    %dma_wait3A_89 = tpu.memref_slice %arg4[%dma_wait3A_77, %dma_wait3A_78, %dma_wait3A_79, %dma_wait3A_87, %dma_wait3A_88] : memref<50x8x128x8x128xf32, #tpu.memory_space<hbm>> -> memref<1x1x1x8x128xf32, #tpu.memory_space<hbm>>
    %dma_wait3A_90 = tpu.memref_squeeze %dma_wait3A_89 : memref<1x1x1x8x128xf32, #tpu.memory_space<hbm>> -> memref<8x128xf32, #tpu.memory_space<hbm>>
    %dma_wait3A_91 = arith.constant 24 : i32
    %dma_wait3A_92 = arith.constant 0 : i32
    %dma_wait3A_93 = tpu.memref_slice %arg8[%dma_wait3A_91, %dma_wait3A_92] : memref<64x129xf32, #tpu.memory_space<vmem>> -> memref<8x128xf32, #tpu.memory_space<vmem>>
    tpu.wait_dma2 semaphore(%arg12 : memref<!tpu.dma_semaphore, #tpu.memory_space<semaphore_mem>>) src(%dma_wait3A_93 : memref<8x128xf32, #tpu.memory_space<vmem>>) dst(%dma_wait3A_90 : memref<8x128xf32, #tpu.memory_space<hbm>>)
    %dma_wait3A_94 = arith.constant 0 : i32
    %dma_wait3A_95 = arith.constant 4 : i32
    %dma_wait3A_96 = arith.constant 0 : i32
    %dma_wait3A_97 = arith.constant 32 : i32
    %dma_wait3A_98 = arith.constant 0 : i32
    %dma_wait3A_99 = tpu.memref_slice %arg8[%dma_wait3A_97, %dma_wait3A_98] : memref<64x129xf32, #tpu.memory_space<vmem>> -> memref<8x128xf32, #tpu.memory_space<vmem>>
    %dma_wait3A_100 = arith.constant 0 : i32
    %dma_wait3A_101 = arith.constant 0 : i32
    %dma_wait3A_102 = tpu.memref_slice %arg4[%dma_wait3A_94, %dma_wait3A_95, %dma_wait3A_96, %dma_wait3A_100, %dma_wait3A_101] : memref<50x8x128x8x128xf32, #tpu.memory_space<hbm>> -> memref<1x1x1x8x128xf32, #tpu.memory_space<hbm>>
    %dma_wait3A_103 = tpu.memref_squeeze %dma_wait3A_102 : memref<1x1x1x8x128xf32, #tpu.memory_space<hbm>> -> memref<8x128xf32, #tpu.memory_space<hbm>>
    %dma_wait3A_104 = arith.constant 0 : i32
    %dma_wait3A_105 = arith.constant 0 : i32
    %dma_wait3A_106 = tpu.memref_slice %arg4[%dma_wait3A_94, %dma_wait3A_95, %dma_wait3A_96, %dma_wait3A_104, %dma_wait3A_105] : memref<50x8x128x8x128xf32, #tpu.memory_space<hbm>> -> memref<1x1x1x8x128xf32, #tpu.memory_space<hbm>>
    %dma_wait3A_107 = tpu.memref_squeeze %dma_wait3A_106 : memref<1x1x1x8x128xf32, #tpu.memory_space<hbm>> -> memref<8x128xf32, #tpu.memory_space<hbm>>
    %dma_wait3A_108 = arith.constant 32 : i32
    %dma_wait3A_109 = arith.constant 0 : i32
    %dma_wait3A_110 = tpu.memref_slice %arg8[%dma_wait3A_108, %dma_wait3A_109] : memref<64x129xf32, #tpu.memory_space<vmem>> -> memref<8x128xf32, #tpu.memory_space<vmem>>
    tpu.wait_dma2 semaphore(%arg12 : memref<!tpu.dma_semaphore, #tpu.memory_space<semaphore_mem>>) src(%dma_wait3A_110 : memref<8x128xf32, #tpu.memory_space<vmem>>) dst(%dma_wait3A_107 : memref<8x128xf32, #tpu.memory_space<hbm>>)
    %dma_wait3A_111 = arith.constant 0 : i32
    %dma_wait3A_112 = arith.constant 5 : i32
    %dma_wait3A_113 = arith.constant 0 : i32
    %dma_wait3A_114 = arith.constant 40 : i32
    %dma_wait3A_115 = arith.constant 0 : i32
    %dma_wait3A_116 = tpu.memref_slice %arg8[%dma_wait3A_114, %dma_wait3A_115] : memref<64x129xf32, #tpu.memory_space<vmem>> -> memref<8x128xf32, #tpu.memory_space<vmem>>
    %dma_wait3A_117 = arith.constant 0 : i32
    %dma_wait3A_118 = arith.constant 0 : i32
    %dma_wait3A_119 = tpu.memref_slice %arg4[%dma_wait3A_111, %dma_wait3A_112, %dma_wait3A_113, %dma_wait3A_117, %dma_wait3A_118] : memref<50x8x128x8x128xf32, #tpu.memory_space<hbm>> -> memref<1x1x1x8x128xf32, #tpu.memory_space<hbm>>
    %dma_wait3A_120 = tpu.memref_squeeze %dma_wait3A_119 : memref<1x1x1x8x128xf32, #tpu.memory_space<hbm>> -> memref<8x128xf32, #tpu.memory_space<hbm>>
    %dma_wait3A_121 = arith.constant 0 : i32
    %dma_wait3A_122 = arith.constant 0 : i32
    %dma_wait3A_123 = tpu.memref_slice %arg4[%dma_wait3A_111, %dma_wait3A_112, %dma_wait3A_113, %dma_wait3A_121, %dma_wait3A_122] : memref<50x8x128x8x128xf32, #tpu.memory_space<hbm>> -> memref<1x1x1x8x128xf32, #tpu.memory_space<hbm>>
    %dma_wait3A_124 = tpu.memref_squeeze %dma_wait3A_123 : memref<1x1x1x8x128xf32, #tpu.memory_space<hbm>> -> memref<8x128xf32, #tpu.memory_space<hbm>>
    %dma_wait3A_125 = arith.constant 40 : i32
    %dma_wait3A_126 = arith.constant 0 : i32
    %dma_wait3A_127 = tpu.memref_slice %arg8[%dma_wait3A_125, %dma_wait3A_126] : memref<64x129xf32, #tpu.memory_space<vmem>> -> memref<8x128xf32, #tpu.memory_space<vmem>>
    tpu.wait_dma2 semaphore(%arg12 : memref<!tpu.dma_semaphore, #tpu.memory_space<semaphore_mem>>) src(%dma_wait3A_127 : memref<8x128xf32, #tpu.memory_space<vmem>>) dst(%dma_wait3A_124 : memref<8x128xf32, #tpu.memory_space<hbm>>)
    %dma_wait3A_128 = arith.constant 0 : i32
    %dma_wait3A_129 = arith.constant 6 : i32
    %dma_wait3A_130 = arith.constant 0 : i32
    %dma_wait3A_131 = arith.constant 48 : i32
    %dma_wait3A_132 = arith.constant 0 : i32
    %dma_wait3A_133 = tpu.memref_slice %arg8[%dma_wait3A_131, %dma_wait3A_132] : memref<64x129xf32, #tpu.memory_space<vmem>> -> memref<8x128xf32, #tpu.memory_space<vmem>>
    %dma_wait3A_134 = arith.constant 0 : i32
    %dma_wait3A_135 = arith.constant 0 : i32
    %dma_wait3A_136 = tpu.memref_slice %arg4[%dma_wait3A_128, %dma_wait3A_129, %dma_wait3A_130, %dma_wait3A_134, %dma_wait3A_135] : memref<50x8x128x8x128xf32, #tpu.memory_space<hbm>> -> memref<1x1x1x8x128xf32, #tpu.memory_space<hbm>>
    %dma_wait3A_137 = tpu.memref_squeeze %dma_wait3A_136 : memref<1x1x1x8x128xf32, #tpu.memory_space<hbm>> -> memref<8x128xf32, #tpu.memory_space<hbm>>
    %dma_wait3A_138 = arith.constant 0 : i32
    %dma_wait3A_139 = arith.constant 0 : i32
    %dma_wait3A_140 = tpu.memref_slice %arg4[%dma_wait3A_128, %dma_wait3A_129, %dma_wait3A_130, %dma_wait3A_138, %dma_wait3A_139] : memref<50x8x128x8x128xf32, #tpu.memory_space<hbm>> -> memref<1x1x1x8x128xf32, #tpu.memory_space<hbm>>
    %dma_wait3A_141 = tpu.memref_squeeze %dma_wait3A_140 : memref<1x1x1x8x128xf32, #tpu.memory_space<hbm>> -> memref<8x128xf32, #tpu.memory_space<hbm>>
    %dma_wait3A_142 = arith.constant 48 : i32
    %dma_wait3A_143 = arith.constant 0 : i32
    %dma_wait3A_144 = tpu.memref_slice %arg8[%dma_wait3A_142, %dma_wait3A_143] : memref<64x129xf32, #tpu.memory_space<vmem>> -> memref<8x128xf32, #tpu.memory_space<vmem>>
    tpu.wait_dma2 semaphore(%arg12 : memref<!tpu.dma_semaphore, #tpu.memory_space<semaphore_mem>>) src(%dma_wait3A_144 : memref<8x128xf32, #tpu.memory_space<vmem>>) dst(%dma_wait3A_141 : memref<8x128xf32, #tpu.memory_space<hbm>>)
    %dma_wait3A_145 = arith.constant 0 : i32
    %dma_wait3A_146 = arith.constant 7 : i32
    %dma_wait3A_147 = arith.constant 0 : i32
    %dma_wait3A_148 = arith.constant 56 : i32
    %dma_wait3A_149 = arith.constant 0 : i32
    %dma_wait3A_150 = tpu.memref_slice %arg8[%dma_wait3A_148, %dma_wait3A_149] : memref<64x129xf32, #tpu.memory_space<vmem>> -> memref<8x128xf32, #tpu.memory_space<vmem>>
    %dma_wait3A_151 = arith.constant 0 : i32
    %dma_wait3A_152 = arith.constant 0 : i32
    %dma_wait3A_153 = tpu.memref_slice %arg4[%dma_wait3A_145, %dma_wait3A_146, %dma_wait3A_147, %dma_wait3A_151, %dma_wait3A_152] : memref<50x8x128x8x128xf32, #tpu.memory_space<hbm>> -> memref<1x1x1x8x128xf32, #tpu.memory_space<hbm>>
    %dma_wait3A_154 = tpu.memref_squeeze %dma_wait3A_153 : memref<1x1x1x8x128xf32, #tpu.memory_space<hbm>> -> memref<8x128xf32, #tpu.memory_space<hbm>>
    %dma_wait3A_155 = arith.constant 0 : i32
    %dma_wait3A_156 = arith.constant 0 : i32
    %dma_wait3A_157 = tpu.memref_slice %arg4[%dma_wait3A_145, %dma_wait3A_146, %dma_wait3A_147, %dma_wait3A_155, %dma_wait3A_156] : memref<50x8x128x8x128xf32, #tpu.memory_space<hbm>> -> memref<1x1x1x8x128xf32, #tpu.memory_space<hbm>>
    %dma_wait3A_158 = tpu.memref_squeeze %dma_wait3A_157 : memref<1x1x1x8x128xf32, #tpu.memory_space<hbm>> -> memref<8x128xf32, #tpu.memory_space<hbm>>
    %dma_wait3A_159 = arith.constant 56 : i32
    %dma_wait3A_160 = arith.constant 0 : i32
    %dma_wait3A_161 = tpu.memref_slice %arg8[%dma_wait3A_159, %dma_wait3A_160] : memref<64x129xf32, #tpu.memory_space<vmem>> -> memref<8x128xf32, #tpu.memory_space<vmem>>
    tpu.wait_dma2 semaphore(%arg12 : memref<!tpu.dma_semaphore, #tpu.memory_space<semaphore_mem>>) src(%dma_wait3A_161 : memref<8x128xf32, #tpu.memory_space<vmem>>) dst(%dma_wait3A_158 : memref<8x128xf32, #tpu.memory_space<hbm>>)
    %dma_wait3A_162 = arith.constant 0 : i32
    %dma_wait3A_163 = arith.constant 0 : i32
    %dma_wait3A_164 = arith.constant 0 : i32
    %dma_wait3A_165 = arith.constant 0 : i32
    %dma_wait3A_166 = arith.constant 0 : i32
    %dma_wait3A_167 = tpu.memref_slice %arg9[%dma_wait3A_165, %dma_wait3A_166] : memref<64x129xf32, #tpu.memory_space<vmem>> -> memref<8x128xf32, #tpu.memory_space<vmem>>
    %dma_wait3A_168 = arith.constant 0 : i32
    %dma_wait3A_169 = arith.constant 0 : i32
    %dma_wait3A_170 = tpu.memref_slice %arg4[%dma_wait3A_162, %dma_wait3A_163, %dma_wait3A_164, %dma_wait3A_168, %dma_wait3A_169] : memref<50x8x128x8x128xf32, #tpu.memory_space<hbm>> -> memref<1x1x1x8x128xf32, #tpu.memory_space<hbm>>
    %dma_wait3A_171 = tpu.memref_squeeze %dma_wait3A_170 : memref<1x1x1x8x128xf32, #tpu.memory_space<hbm>> -> memref<8x128xf32, #tpu.memory_space<hbm>>
    %dma_wait3A_172 = arith.constant 0 : i32
    %dma_wait3A_173 = arith.constant 0 : i32
    %dma_wait3A_174 = tpu.memref_slice %arg4[%dma_wait3A_162, %dma_wait3A_163, %dma_wait3A_164, %dma_wait3A_172, %dma_wait3A_173] : memref<50x8x128x8x128xf32, #tpu.memory_space<hbm>> -> memref<1x1x1x8x128xf32, #tpu.memory_space<hbm>>
    %dma_wait3A_175 = tpu.memref_squeeze %dma_wait3A_174 : memref<1x1x1x8x128xf32, #tpu.memory_space<hbm>> -> memref<8x128xf32, #tpu.memory_space<hbm>>
    %dma_wait3A_176 = arith.constant 0 : i32
    %dma_wait3A_177 = arith.constant 0 : i32
    %dma_wait3A_178 = tpu.memref_slice %arg9[%dma_wait3A_176, %dma_wait3A_177] : memref<64x129xf32, #tpu.memory_space<vmem>> -> memref<8x128xf32, #tpu.memory_space<vmem>>
    tpu.wait_dma2 semaphore(%arg13 : memref<!tpu.dma_semaphore, #tpu.memory_space<semaphore_mem>>) src(%dma_wait3A_178 : memref<8x128xf32, #tpu.memory_space<vmem>>) dst(%dma_wait3A_175 : memref<8x128xf32, #tpu.memory_space<hbm>>)
    %dma_wait3A_179 = arith.constant 0 : i32
    %dma_wait3A_180 = arith.constant 1 : i32
    %dma_wait3A_181 = arith.constant 0 : i32
    %dma_wait3A_182 = arith.constant 8 : i32
    %dma_wait3A_183 = arith.constant 0 : i32
    %dma_wait3A_184 = tpu.memref_slice %arg9[%dma_wait3A_182, %dma_wait3A_183] : memref<64x129xf32, #tpu.memory_space<vmem>> -> memref<8x128xf32, #tpu.memory_space<vmem>>
    %dma_wait3A_185 = arith.constant 0 : i32
    %dma_wait3A_186 = arith.constant 0 : i32
    %dma_wait3A_187 = tpu.memref_slice %arg4[%dma_wait3A_179, %dma_wait3A_180, %dma_wait3A_181, %dma_wait3A_185, %dma_wait3A_186] : memref<50x8x128x8x128xf32, #tpu.memory_space<hbm>> -> memref<1x1x1x8x128xf32, #tpu.memory_space<hbm>>
    %dma_wait3A_188 = tpu.memref_squeeze %dma_wait3A_187 : memref<1x1x1x8x128xf32, #tpu.memory_space<hbm>> -> memref<8x128xf32, #tpu.memory_space<hbm>>
    %dma_wait3A_189 = arith.constant 0 : i32
    %dma_wait3A_190 = arith.constant 0 : i32
    %dma_wait3A_191 = tpu.memref_slice %arg4[%dma_wait3A_179, %dma_wait3A_180, %dma_wait3A_181, %dma_wait3A_189, %dma_wait3A_190] : memref<50x8x128x8x128xf32, #tpu.memory_space<hbm>> -> memref<1x1x1x8x128xf32, #tpu.memory_space<hbm>>
    %dma_wait3A_192 = tpu.memref_squeeze %dma_wait3A_191 : memref<1x1x1x8x128xf32, #tpu.memory_space<hbm>> -> memref<8x128xf32, #tpu.memory_space<hbm>>
    %dma_wait3A_193 = arith.constant 8 : i32
    %dma_wait3A_194 = arith.constant 0 : i32
    %dma_wait3A_195 = tpu.memref_slice %arg9[%dma_wait3A_193, %dma_wait3A_194] : memref<64x129xf32, #tpu.memory_space<vmem>> -> memref<8x128xf32, #tpu.memory_space<vmem>>
    tpu.wait_dma2 semaphore(%arg13 : memref<!tpu.dma_semaphore, #tpu.memory_space<semaphore_mem>>) src(%dma_wait3A_195 : memref<8x128xf32, #tpu.memory_space<vmem>>) dst(%dma_wait3A_192 : memref<8x128xf32, #tpu.memory_space<hbm>>)
    %dma_wait3A_196 = arith.constant 0 : i32
    %dma_wait3A_197 = arith.constant 2 : i32
    %dma_wait3A_198 = arith.constant 0 : i32
    %dma_wait3A_199 = arith.constant 16 : i32
    %dma_wait3A_200 = arith.constant 0 : i32
    %dma_wait3A_201 = tpu.memref_slice %arg9[%dma_wait3A_199, %dma_wait3A_200] : memref<64x129xf32, #tpu.memory_space<vmem>> -> memref<8x128xf32, #tpu.memory_space<vmem>>
    %dma_wait3A_202 = arith.constant 0 : i32
    %dma_wait3A_203 = arith.constant 0 : i32
    %dma_wait3A_204 = tpu.memref_slice %arg4[%dma_wait3A_196, %dma_wait3A_197, %dma_wait3A_198, %dma_wait3A_202, %dma_wait3A_203] : memref<50x8x128x8x128xf32, #tpu.memory_space<hbm>> -> memref<1x1x1x8x128xf32, #tpu.memory_space<hbm>>
    %dma_wait3A_205 = tpu.memref_squeeze %dma_wait3A_204 : memref<1x1x1x8x128xf32, #tpu.memory_space<hbm>> -> memref<8x128xf32, #tpu.memory_space<hbm>>
    %dma_wait3A_206 = arith.constant 0 : i32
    %dma_wait3A_207 = arith.constant 0 : i32
    %dma_wait3A_208 = tpu.memref_slice %arg4[%dma_wait3A_196, %dma_wait3A_197, %dma_wait3A_198, %dma_wait3A_206, %dma_wait3A_207] : memref<50x8x128x8x128xf32, #tpu.memory_space<hbm>> -> memref<1x1x1x8x128xf32, #tpu.memory_space<hbm>>
    %dma_wait3A_209 = tpu.memref_squeeze %dma_wait3A_208 : memref<1x1x1x8x128xf32, #tpu.memory_space<hbm>> -> memref<8x128xf32, #tpu.memory_space<hbm>>
    %dma_wait3A_210 = arith.constant 16 : i32
    %dma_wait3A_211 = arith.constant 0 : i32
    %dma_wait3A_212 = tpu.memref_slice %arg9[%dma_wait3A_210, %dma_wait3A_211] : memref<64x129xf32, #tpu.memory_space<vmem>> -> memref<8x128xf32, #tpu.memory_space<vmem>>
    tpu.wait_dma2 semaphore(%arg13 : memref<!tpu.dma_semaphore, #tpu.memory_space<semaphore_mem>>) src(%dma_wait3A_212 : memref<8x128xf32, #tpu.memory_space<vmem>>) dst(%dma_wait3A_209 : memref<8x128xf32, #tpu.memory_space<hbm>>)
    %dma_wait3A_213 = arith.constant 0 : i32
    %dma_wait3A_214 = arith.constant 3 : i32
    %dma_wait3A_215 = arith.constant 0 : i32
    %dma_wait3A_216 = arith.constant 24 : i32
    %dma_wait3A_217 = arith.constant 0 : i32
    %dma_wait3A_218 = tpu.memref_slice %arg9[%dma_wait3A_216, %dma_wait3A_217] : memref<64x129xf32, #tpu.memory_space<vmem>> -> memref<8x128xf32, #tpu.memory_space<vmem>>
    %dma_wait3A_219 = arith.constant 0 : i32
    %dma_wait3A_220 = arith.constant 0 : i32
    %dma_wait3A_221 = tpu.memref_slice %arg4[%dma_wait3A_213, %dma_wait3A_214, %dma_wait3A_215, %dma_wait3A_219, %dma_wait3A_220] : memref<50x8x128x8x128xf32, #tpu.memory_space<hbm>> -> memref<1x1x1x8x128xf32, #tpu.memory_space<hbm>>
    %dma_wait3A_222 = tpu.memref_squeeze %dma_wait3A_221 : memref<1x1x1x8x128xf32, #tpu.memory_space<hbm>> -> memref<8x128xf32, #tpu.memory_space<hbm>>
    %dma_wait3A_223 = arith.constant 0 : i32
    %dma_wait3A_224 = arith.constant 0 : i32
    %dma_wait3A_225 = tpu.memref_slice %arg4[%dma_wait3A_213, %dma_wait3A_214, %dma_wait3A_215, %dma_wait3A_223, %dma_wait3A_224] : memref<50x8x128x8x128xf32, #tpu.memory_space<hbm>> -> memref<1x1x1x8x128xf32, #tpu.memory_space<hbm>>
    %dma_wait3A_226 = tpu.memref_squeeze %dma_wait3A_225 : memref<1x1x1x8x128xf32, #tpu.memory_space<hbm>> -> memref<8x128xf32, #tpu.memory_space<hbm>>
    %dma_wait3A_227 = arith.constant 24 : i32
    %dma_wait3A_228 = arith.constant 0 : i32
    %dma_wait3A_229 = tpu.memref_slice %arg9[%dma_wait3A_227, %dma_wait3A_228] : memref<64x129xf32, #tpu.memory_space<vmem>> -> memref<8x128xf32, #tpu.memory_space<vmem>>
    tpu.wait_dma2 semaphore(%arg13 : memref<!tpu.dma_semaphore, #tpu.memory_space<semaphore_mem>>) src(%dma_wait3A_229 : memref<8x128xf32, #tpu.memory_space<vmem>>) dst(%dma_wait3A_226 : memref<8x128xf32, #tpu.memory_space<hbm>>)
    %dma_wait3A_230 = arith.constant 0 : i32
    %dma_wait3A_231 = arith.constant 4 : i32
    %dma_wait3A_232 = arith.constant 0 : i32
    %dma_wait3A_233 = arith.constant 32 : i32
    %dma_wait3A_234 = arith.constant 0 : i32
    %dma_wait3A_235 = tpu.memref_slice %arg9[%dma_wait3A_233, %dma_wait3A_234] : memref<64x129xf32, #tpu.memory_space<vmem>> -> memref<8x128xf32, #tpu.memory_space<vmem>>
    %dma_wait3A_236 = arith.constant 0 : i32
    %dma_wait3A_237 = arith.constant 0 : i32
    %dma_wait3A_238 = tpu.memref_slice %arg4[%dma_wait3A_230, %dma_wait3A_231, %dma_wait3A_232, %dma_wait3A_236, %dma_wait3A_237] : memref<50x8x128x8x128xf32, #tpu.memory_space<hbm>> -> memref<1x1x1x8x128xf32, #tpu.memory_space<hbm>>
    %dma_wait3A_239 = tpu.memref_squeeze %dma_wait3A_238 : memref<1x1x1x8x128xf32, #tpu.memory_space<hbm>> -> memref<8x128xf32, #tpu.memory_space<hbm>>
    %dma_wait3A_240 = arith.constant 0 : i32
    %dma_wait3A_241 = arith.constant 0 : i32
    %dma_wait3A_242 = tpu.memref_slice %arg4[%dma_wait3A_230, %dma_wait3A_231, %dma_wait3A_232, %dma_wait3A_240, %dma_wait3A_241] : memref<50x8x128x8x128xf32, #tpu.memory_space<hbm>> -> memref<1x1x1x8x128xf32, #tpu.memory_space<hbm>>
    %dma_wait3A_243 = tpu.memref_squeeze %dma_wait3A_242 : memref<1x1x1x8x128xf32, #tpu.memory_space<hbm>> -> memref<8x128xf32, #tpu.memory_space<hbm>>
    %dma_wait3A_244 = arith.constant 32 : i32
    %dma_wait3A_245 = arith.constant 0 : i32
    %dma_wait3A_246 = tpu.memref_slice %arg9[%dma_wait3A_244, %dma_wait3A_245] : memref<64x129xf32, #tpu.memory_space<vmem>> -> memref<8x128xf32, #tpu.memory_space<vmem>>
    tpu.wait_dma2 semaphore(%arg13 : memref<!tpu.dma_semaphore, #tpu.memory_space<semaphore_mem>>) src(%dma_wait3A_246 : memref<8x128xf32, #tpu.memory_space<vmem>>) dst(%dma_wait3A_243 : memref<8x128xf32, #tpu.memory_space<hbm>>)
    %dma_wait3A_247 = arith.constant 0 : i32
    %dma_wait3A_248 = arith.constant 5 : i32
    %dma_wait3A_249 = arith.constant 0 : i32
    %dma_wait3A_250 = arith.constant 40 : i32
    %dma_wait3A_251 = arith.constant 0 : i32
    %dma_wait3A_252 = tpu.memref_slice %arg9[%dma_wait3A_250, %dma_wait3A_251] : memref<64x129xf32, #tpu.memory_space<vmem>> -> memref<8x128xf32, #tpu.memory_space<vmem>>
    %dma_wait3A_253 = arith.constant 0 : i32
    %dma_wait3A_254 = arith.constant 0 : i32
    %dma_wait3A_255 = tpu.memref_slice %arg4[%dma_wait3A_247, %dma_wait3A_248, %dma_wait3A_249, %dma_wait3A_253, %dma_wait3A_254] : memref<50x8x128x8x128xf32, #tpu.memory_space<hbm>> -> memref<1x1x1x8x128xf32, #tpu.memory_space<hbm>>
    %dma_wait3A_256 = tpu.memref_squeeze %dma_wait3A_255 : memref<1x1x1x8x128xf32, #tpu.memory_space<hbm>> -> memref<8x128xf32, #tpu.memory_space<hbm>>
    %dma_wait3A_257 = arith.constant 0 : i32
    %dma_wait3A_258 = arith.constant 0 : i32
    %dma_wait3A_259 = tpu.memref_slice %arg4[%dma_wait3A_247, %dma_wait3A_248, %dma_wait3A_249, %dma_wait3A_257, %dma_wait3A_258] : memref<50x8x128x8x128xf32, #tpu.memory_space<hbm>> -> memref<1x1x1x8x128xf32, #tpu.memory_space<hbm>>
    %dma_wait3A_260 = tpu.memref_squeeze %dma_wait3A_259 : memref<1x1x1x8x128xf32, #tpu.memory_space<hbm>> -> memref<8x128xf32, #tpu.memory_space<hbm>>
    %dma_wait3A_261 = arith.constant 40 : i32
    %dma_wait3A_262 = arith.constant 0 : i32
    %dma_wait3A_263 = tpu.memref_slice %arg9[%dma_wait3A_261, %dma_wait3A_262] : memref<64x129xf32, #tpu.memory_space<vmem>> -> memref<8x128xf32, #tpu.memory_space<vmem>>
    tpu.wait_dma2 semaphore(%arg13 : memref<!tpu.dma_semaphore, #tpu.memory_space<semaphore_mem>>) src(%dma_wait3A_263 : memref<8x128xf32, #tpu.memory_space<vmem>>) dst(%dma_wait3A_260 : memref<8x128xf32, #tpu.memory_space<hbm>>)
    %dma_wait3A_264 = arith.constant 0 : i32
    %dma_wait3A_265 = arith.constant 6 : i32
    %dma_wait3A_266 = arith.constant 0 : i32
    %dma_wait3A_267 = arith.constant 48 : i32
    %dma_wait3A_268 = arith.constant 0 : i32
    %dma_wait3A_269 = tpu.memref_slice %arg9[%dma_wait3A_267, %dma_wait3A_268] : memref<64x129xf32, #tpu.memory_space<vmem>> -> memref<8x128xf32, #tpu.memory_space<vmem>>
    %dma_wait3A_270 = arith.constant 0 : i32
    %dma_wait3A_271 = arith.constant 0 : i32
    %dma_wait3A_272 = tpu.memref_slice %arg4[%dma_wait3A_264, %dma_wait3A_265, %dma_wait3A_266, %dma_wait3A_270, %dma_wait3A_271] : memref<50x8x128x8x128xf32, #tpu.memory_space<hbm>> -> memref<1x1x1x8x128xf32, #tpu.memory_space<hbm>>
    %dma_wait3A_273 = tpu.memref_squeeze %dma_wait3A_272 : memref<1x1x1x8x128xf32, #tpu.memory_space<hbm>> -> memref<8x128xf32, #tpu.memory_space<hbm>>
    %dma_wait3A_274 = arith.constant 0 : i32
    %dma_wait3A_275 = arith.constant 0 : i32
    %dma_wait3A_276 = tpu.memref_slice %arg4[%dma_wait3A_264, %dma_wait3A_265, %dma_wait3A_266, %dma_wait3A_274, %dma_wait3A_275] : memref<50x8x128x8x128xf32, #tpu.memory_space<hbm>> -> memref<1x1x1x8x128xf32, #tpu.memory_space<hbm>>
    %dma_wait3A_277 = tpu.memref_squeeze %dma_wait3A_276 : memref<1x1x1x8x128xf32, #tpu.memory_space<hbm>> -> memref<8x128xf32, #tpu.memory_space<hbm>>
    %dma_wait3A_278 = arith.constant 48 : i32
    %dma_wait3A_279 = arith.constant 0 : i32
    %dma_wait3A_280 = tpu.memref_slice %arg9[%dma_wait3A_278, %dma_wait3A_279] : memref<64x129xf32, #tpu.memory_space<vmem>> -> memref<8x128xf32, #tpu.memory_space<vmem>>
    tpu.wait_dma2 semaphore(%arg13 : memref<!tpu.dma_semaphore, #tpu.memory_space<semaphore_mem>>) src(%dma_wait3A_280 : memref<8x128xf32, #tpu.memory_space<vmem>>) dst(%dma_wait3A_277 : memref<8x128xf32, #tpu.memory_space<hbm>>)
    %dma_wait3A_281 = arith.constant 0 : i32
    %dma_wait3A_282 = arith.constant 7 : i32
    %dma_wait3A_283 = arith.constant 0 : i32
    %dma_wait3A_284 = arith.constant 56 : i32
    %dma_wait3A_285 = arith.constant 0 : i32
    %dma_wait3A_286 = tpu.memref_slice %arg9[%dma_wait3A_284, %dma_wait3A_285] : memref<64x129xf32, #tpu.memory_space<vmem>> -> memref<8x128xf32, #tpu.memory_space<vmem>>
    %dma_wait3A_287 = arith.constant 0 : i32
    %dma_wait3A_288 = arith.constant 0 : i32
    %dma_wait3A_289 = tpu.memref_slice %arg4[%dma_wait3A_281, %dma_wait3A_282, %dma_wait3A_283, %dma_wait3A_287, %dma_wait3A_288] : memref<50x8x128x8x128xf32, #tpu.memory_space<hbm>> -> memref<1x1x1x8x128xf32, #tpu.memory_space<hbm>>
    %dma_wait3A_290 = tpu.memref_squeeze %dma_wait3A_289 : memref<1x1x1x8x128xf32, #tpu.memory_space<hbm>> -> memref<8x128xf32, #tpu.memory_space<hbm>>
    %dma_wait3A_291 = arith.constant 0 : i32
    %dma_wait3A_292 = arith.constant 0 : i32
    %dma_wait3A_293 = tpu.memref_slice %arg4[%dma_wait3A_281, %dma_wait3A_282, %dma_wait3A_283, %dma_wait3A_291, %dma_wait3A_292] : memref<50x8x128x8x128xf32, #tpu.memory_space<hbm>> -> memref<1x1x1x8x128xf32, #tpu.memory_space<hbm>>
    %dma_wait3A_294 = tpu.memref_squeeze %dma_wait3A_293 : memref<1x1x1x8x128xf32, #tpu.memory_space<hbm>> -> memref<8x128xf32, #tpu.memory_space<hbm>>
    %dma_wait3A_295 = arith.constant 56 : i32
    %dma_wait3A_296 = arith.constant 0 : i32
    %dma_wait3A_297 = tpu.memref_slice %arg9[%dma_wait3A_295, %dma_wait3A_296] : memref<64x129xf32, #tpu.memory_space<vmem>> -> memref<8x128xf32, #tpu.memory_space<vmem>>
    tpu.wait_dma2 semaphore(%arg13 : memref<!tpu.dma_semaphore, #tpu.memory_space<semaphore_mem>>) src(%dma_wait3A_297 : memref<8x128xf32, #tpu.memory_space<vmem>>) dst(%dma_wait3A_294 : memref<8x128xf32, #tpu.memory_space<hbm>>)
    return
  }
}

</mosaic_0001>

<sc_bundles>
// kernel: kernel.3.cloned.1.call-start
scs
__scs_entry_jumppad:
0x0: {  	(pc) =	sbr.rel $0x88, $3  }
0x1: {  	(tag) =	ssettag $0x0;
	lr =	simm.s32 $0x1  }
0x2: {  	[smem:$0x3F9F] =	sst lr;
	_ =	strace $0xD0000000  }
0x3: {  	_ = 	snop  }
0x4: {  	_ = 	snop  }
0x5: {  	_ = 	snop  }
0x6: {  	_ = 	snop  }
0x7: {  	_ = 	snop  }
__scs_overlays_trampoline_lowered:
0x8: {  	[smem:$0x3FAE] =	sst s0  }
0x9: {  	[smem:$0x3FAF] =	sst s1  }
0xa: {  	[smem:$0x3FB0] =	sst s2  }
0xb: {  	[smem:$0x3FB1] =	sst s3  }
0xc: {  	[smem:$0x3FB2] =	sst s4  }
0xd: {  	[smem:$0x3FB3] =	sst s5  }
0xe: {  	[smem:$0x3FB4] =	sst s6  }
0xf: {  	[smem:$0x3FB5] =	sst s7  }
0x10: {  	[smem:$0x3FB6] =	sst s8  }
0x11: {  	[smem:$0x3FB7] =	sst s9;
	s0 =	simm.s32 @!p0 $0x0  }
0x12: {  	s1 =	sld [smem:$0x3F9D];
	s0 =	simm.s32 @p0 $0x1  }
0x13: {  	[smem:$0x3FB8] =	sst s0;
	s0 =	simm.s32 @!p1 $0x0  }
0x14: {  	s2 =	sld [smem:$0x3F9C];
	s0 =	simm.s32 @p1 $0x1  }
0x15: {  	[smem:$0x3FB9] =	sst s0;
	s0 =	simm.s32 @!p2 $0x0  }
0x16: {  	s3 =	sld [smem:$0x3FDB];
	s0 =	simm.s32 @p2 $0x1  }
0x17: {  	s4 =	simm.s32 $0x1BF5;
	[smem:$0x3FBB] =	sst s0  }
0x18: {  	s0 =	sld [smem:$0x3F9E];
	_ =	swait.ge [sflag:s4], $0x0  }
0x19: {  	s7 =	sld [smem:$0x3F9F]  }
0x1a: {  	s8 =	sadd.s32 $0xFFFFE003, lr  }
0x1b: {  	s9 =	sadd.s32 $0xFFFFFEF7, lr;
	s5 =	simm.s32 $0xFFFFFFFF;
	p2 =	slt.u32 s8, $0xFFFFF086  }
0x1c: {  	p1 =	slt.u32 s9, $0xF7A;
	s5 =	simm.s32 @!p2 $0x0  }
0x1d: {  	s5 =	simm.s32 @p1 $0x1;
	p0 =	seq.s32 s7, s2  }
0x1e: {  	s7 =	smul.u32 @!p0 $0xF7A, s2;
	p2 =	seq.s32 @!p0 s5, $0x0  }
0x1f: {  	s9 =	smul.u32 $0xF7A, s1;
	s8 =	simm.s32 @!p0 $0x1BF5;
	p2 =	por !p2, p0  }
0x20: {  	[sflag:s8] =	ssyncset.s32 @!p0 $0xFFFFF086;
	s6 =	sadd.s32 @!p0 s3, s7;
	s7 =	simm.s32 @!p0 $0x108  }
0x21: {  	s3 =	sadd.s32 s3, s9;
	s6 =	sadd.s32 @!p0 $0x88, s6;
	s7 =	simm.s32 @p2 $0x1082  }
0x22: {  	[simem:s7], [sflag:s8] =	dma.local @!p0 [hbm:s6], $0xF7A  }
0x23: {  	s9 =	sor.u32 $0xD0000000, s2;
	s6 =	simm.s32 $0x108;
	_ =	swait.ge @!p0 [sflag:s8], $0x0  }
0x24: {  	s3 =	sadd.s32 $0x88, s3;
	s6 =	simm.s32 @!p1 $0x1082;
	[sflag:s4] =	ssyncset.s32 $0xFFFFF086  }
0x25: {  	[simem:s6], [sflag:s4] =	dma.local [hbm:s3], $0xF7A  }
0x26: {  	[smem:$0x3F9F] =	sst s1;
	(tag) =	ssettag s2;
	_ =	strace s9  }
0x27: {  	s1 =	sld [smem:$0x3FAF]  }
0x28: {  	s2 =	sld [smem:$0x3FB0]  }
0x29: {  	s4 =	sld [smem:$0x3FB2]  }
0x2a: {  	p0 =	seq.s32 s5, $0x0;
	s5 =	sld [smem:$0x3FB3]  }
0x2b: {  	s6 =	sld [smem:$0x3FB4]  }
0x2c: {  	s7 =	sld [smem:$0x3FB5]  }
0x2d: {  	s3 =	simm.s32 $0x108;
	s8 =	sld [smem:$0x3FB6]  }
0x2e: {  	s3 =	simm.s32 @!p0 $0x1082;
	s9 =	sld [smem:$0x3FB7]  }
0x2f: {  	lr =	sadd.s32 s0, s3;
	s0 =	sld [smem:$0x3FAE]  }
0x30: {  	s3 =	sld [smem:$0x3FB1]  }
0x31: {  	[smem:$0x3FBA] =	sst s10  }
0x32: {  	s10 =	sld [smem:$0x3FB8];
	_ =	sdelay $0x3  }
0x33: {  	p0 =	seq.s32 s10, $0x1;
	s10 =	sld [smem:$0x3FBA];
	_ =	sdelay $0x3  }
0x34: {  	[smem:$0x3FBA] =	sst s10  }
0x35: {  	s10 =	sld [smem:$0x3FB9];
	_ =	sdelay $0x3  }
0x36: {  	p1 =	seq.s32 s10, $0x1;
	s10 =	sld [smem:$0x3FBA];
	_ =	sdelay $0x3  }
0x37: {  	[smem:$0x3FBA] =	sst s10  }
0x38: {  	s10 =	sld [smem:$0x3FBB]  }
0x39: {  	_ = 	snop;
	(pc) =	sbr.ind lr, $3  }
0x3a: {  	_ = 	snop  }
0x3b: {  	_ = 	snop  }
0x3c: {  	p2 =	seq.s32 s10, $0x1;
	s10 =	sld [smem:$0x3FBA]  }
0x3d: {  	_ =	shalt  }
0x3e: {  	_ =	shalt  }
0x3f: {  	_ =	shalt  }
0x40: {  	_ =	shalt  }
0x41: {  	_ =	shalt  }
0x42: {  	_ =	shalt  }
0x43: {  	_ =	shalt  }
0x44: {  	_ =	shalt  }
0x45: {  	_ =	shalt  }
0x46: {  	_ =	shalt  }
0x47: {  	_ =	shalt  }
0x48: {  	_ =	shalt  }
0x49: {  	_ =	shalt  }
0x4a: {  	_ =	shalt  }
0x4b: {  	_ =	shalt  }
0x4c: {  	_ =	shalt  }
0x4d: {  	_ =	shalt  }
0x4e: {  	_ =	shalt  }
0x4f: {  	_ =	shalt  }
0x50: {  	_ =	shalt  }
0x51: {  	_ =	shalt  }
0x52: {  	_ =	shalt  }
0x53: {  	_ =	shalt  }
0x54: {  	_ =	shalt  }
0x55: {  	_ =	shalt  }
0x56: {  	_ =	shalt  }
0x57: {  	_ =	shalt  }
0x58: {  	_ =	shalt  }
0x59: {  	_ =	shalt  }
0x5a: {  	_ =	shalt  }
0x5b: {  	_ =	shalt  }
0x5c: {  	_ =	shalt  }
0x5d: {  	_ =	shalt  }
0x5e: {  	_ =	shalt  }
0x5f: {  	_ =	shalt  }
0x60: {  	_ =	shalt  }
0x61: {  	_ =	shalt  }
0x62: {  	_ =	shalt  }
0x63: {  	_ =	shalt  }
0x64: {  	_ =	shalt  }
0x65: {  	_ =	shalt  }
0x66: {  	_ =	shalt  }
0x67: {  	_ =	shalt  }
0x68: {  	_ =	shalt  }
0x69: {  	_ =	shalt  }
0x6a: {  	_ =	shalt  }
0x6b: {  	_ =	shalt  }
0x6c: {  	_ =	shalt  }
0x6d: {  	_ =	shalt  }
0x6e: {  	_ =	shalt  }
0x6f: {  	_ =	shalt  }
0x70: {  	_ =	shalt  }
0x71: {  	_ =	shalt  }
0x72: {  	_ =	shalt  }
0x73: {  	_ =	shalt  }
0x74: {  	_ =	shalt  }
0x75: {  	_ =	shalt  }
0x76: {  	_ =	shalt  }
0x77: {  	_ =	shalt  }
0x78: {  	_ =	shalt  }
0x79: {  	_ =	shalt  }
0x7a: {  	_ =	shalt  }
0x7b: {  	_ =	shalt  }
0x7c: {  	_ =	shalt  }
0x7d: {  	_ =	shalt  }
0x7e: {  	_ =	shalt  }
0x7f: {  	_ =	shalt  }
0x80: {  	_ =	shalt  }
0x81: {  	_ =	shalt  }
0x82: {  	_ =	shalt  }
0x83: {  	_ =	shalt  }
0x84: {  	_ =	shalt  }
0x85: {  	_ =	shalt  }
0x86: {  	_ =	shalt  }
0x87: {  	_ =	shalt  }
.Lfunc_end0:
.L_simem_size_0:
called_computation_lowered:
.L_overlay_start_0:
0x88: {  	s2 =	sld [smem:$0x3FD9]  }
0x89: {  	s3 =	sld [smem:$0x3FFE];
	_ =	sdelay $0x1  }
0x8a: {  	s1 =	srdreg.scid  }
0x8b: {  	s0 =	sand.u32 $0x1, s1  }
0x8c: {  	s17 =	sshll.u32 s0, $0xA;
	s2 =	sadd.s32 s3, s2  }
0x8d: {  	s2 =	sadd.s32 s2, s17  }
0x8e: {  	[smem:$0x3FC6] =	sst s2  }
0x8f: {  	_ = 	snop  }
0x90: {  	s2 =	sld [smem:$0x3FD0];
	(tm) =	ssettm $0x1  }
0x91: {  	s18 =	sld [smem:$0x3FFB];
	_ =	sdelay $0x3  }
0x92: {  	_ =	strace s18  }
0x93: {  	s3 =	sld [smem:$0x3FFC];
	_ =	sdelay $0x3  }
0x94: {  	_ =	strace s3  }
0x95: {  	s3 =	sld [smem:$0x3FFD];
	_ =	sdelay $0x3  }
0x96: {  	_ =	strace s3  }
0x97: {  	_ =	strace $0x8FFFFFFF  }
0x98: {  	s19 =	sld [smem:$0x3FDB];
	_ =	sdelay $0x1  }
0x99: {  	s4 =	simm.s32 $_scs_section_size  }
0x9a: {  	s5 =	simm.s32 $_size__tile_overlayer_lowered;
	s6 =	simm.s32 $_tile_overlayer_lowered  }
0x9b: {  	s22 =	simm.s32 $0x1BFF;
	s21 =	sshll.u32 s6, $0x1;
	s3 =	sadd.s32 s4, s19  }
0x9c: {  	s7 =	simm.s32 $0x0;
	s20 =	sshll.u32 s5, $0x1;
	s5 =	sadd.s32 s21, s3  }
0x9d: {  	[timem:s7], [sflag:s22] =	dma.local [hbm:s5], s20  }
0x9e: {  	_ =	swait.ge [sflag:s22], s20  }
0x9f: {  	s4 =	ssub.s32 $0x0, s20;
	[sflag:s22] =	ssyncset.done $0x0  }
0xa0: {  	[sflag:s22] =	ssyncadd.s32 s4;
	_ =	sdelay $0x1  }
0xa1: {  	s23 =	simm.s32 $0x1B8B  }
0xa2: {  	_ =	swait.ge [sflag:s23], $0x1  }
0xa3: {  	[sflag:s23] =	ssyncset.done $0x0  }
0xa4: {  	s25 =	simm.s32 $0x1B8E;
	s24 =	sld [smem:$0x3FFE];
	[sflag:s23] =	ssyncadd.s32 $0xFFFFFFFF  }
0xa5: {  	s26 =	simm.s32 $execute0_lowered;
	[smem:$0x3FD2] =	sst s25  }
0xa6: {  	s5 =	sshll.u32 s26, $0x1;
	_ =	strace $0x80000046;
	[dreg:$0x1] =	wrdreg $0xFFFFFFFF  }
0xa7: {  	s28 =	simm.s32 $_size_execute0_lowered;
	s3 =	sadd.s32 s3, s5;
	[dreg:$0x0] =	wrdreg $0x0  }
0xa8: {  	s5 =	sshll.u32 s28, $0x1;
	[dreg:$0x2] =	wrdreg s3  }
0xa9: {  	[dreg:$0x3] =	wrdreg s5  }
0xaa: {  	[dreg:$0x4] =	wrdreg $0xC0  }
0xab: {  	_ =	task [dreg:s7], $0x5FFFF  }
0xac: {  	[dreg:$0x1] =	wrdreg $0xFFFFFFFF  }
0xad: {  	[dreg:$0x0] =	wrdreg $0x60  }
0xae: {  	[dreg:$0x2] =	wrdreg s24  }
0xaf: {  	[dreg:$0x3] =	wrdreg s2  }
0xb0: {  	[dreg:$0x4] =	wrdreg $0x9  }
0xb1: {  	_ =	task.clear_ibuf [dreg:s7], $0x5FFFF;
	_ =	strace $0x90000046  }
0xb2: {  	s29 =	simm.s32 $0x9;
	_ =	strace $0x80000048  }
0xb3: {  	_ =	swait.ge [sflag:s29], $0x1  }
0xb4: {  	[sflag:s29] =	ssyncadd.s32 $0xFFFFFFFF  }
0xb5: {  	_ =	strace $0x90000048  }
0xb6: {  	_ =	sfence  }
0xb7: {  	s30 =	sld [smem:$0x0];
	_ =	sdelay $0x2  }
0xb8: {  	s31 =	sshll.u32 s1, $0xD;
	s1 =	sshrl.u32 s1, $0x2  }
0xb9: {  	s3 =	sand.u32 $0x4000, s31;
	s1 =	sadd.s32 s1, s30  }
0xba: {  	s0 =	sor.u32 s3, s0;
	s1 =	sshll.u32 s1, $0x11  }
0xbb: {  	s0 =	sor.u32 s1, s0  }
0xbc: {  	s0 =	sadd.s32 $0x8F2B, s0  }
0xbd: {  	[sflag:s0] =	ssyncadd.remote.s32 $0x1  }
0xbe: {  	_ =	sfence.sel $0xFFFF  }
0xbf: {  	[dreg:$0x0] =	wrdreg $0xFFFFFFFF;
	(pc) =	sbr.abs _section_cstart, $3  }
0xc0: {  	[dreg:$0x1] =	wrdreg $0xFFFFFFFF  }
0xc1: {  	_ =	task.clear_ibuf [dreg:s7], $0x2FFFF;
	_ =	strace $0x9FFFFFFF  }
0xc2: {  	(tm) =	ssettm $0x7FFFFFFF  }
0xc3: {  	_ =	shalt  }
tec
execute0_lowered:
.L_overlay_start_1:
0x0: {  	(tag) =	ssettag $0x1  }
0x1: {  	s0 =	rddreg [dreg:$0x0];
	s1 =	srdreg.scid  }
0x2: {  	s3 =	stileid.u32;
	s2 =	rddreg [dreg:$0x1];
	s16 =	simm.s32 $0x80  }
0x3: {  	s19 =	simm.s32 $0x1;
	s20 =	simm.s32 $0xA400;
	s14 =	simm.s32 $0x4  }
0x4: {  	s15 =	simm.s32 $0xC600;
	s18 =	simm.s32 $0xE4D0;
	s21 =	simm.s32 $0xE558  }
0x5: {  	s22 =	simm.s32 $0xE5E0;
	s23 =	simm.s32 $0xE668;
	s24 =	simm.s32 $0xE6F0  }
0x6: {  	s25 =	simm.s32 $0xE778;
	s1 =	sand.u32 $0x1, s1;
	s4 =	sshll.u32 s3, $0x1  }
0x7: {  	s3 =	simm.s32 $0x0;
	s8 =	sadd.s32 $0x8000, s2;
	s9 =	sadd.s32 $0xC000, s2  }
0x8: {  	s10 =	sadd.s32 $0x10000, s2;
	s11 =	sadd.s32 $0x14000, s2;
	s12 =	sadd.s32 $0x18000, s2  }
0x9: {  	s13 =	sadd.s32 $0x1C000, s2;
	s5 =	sor.u32 s1, s4;
	s1 =	ssub.s32 $0x2, s1  }
0xa: {  	[smem:$0x7FF] =	sst s3;
	s4 =	smul.u32 $0xC80, s5;
	s6 =	sshrl.u32 s1, $0x1  }
0xb: {  	v0 =	vlaneseq.u32;
	_ =	strace $0x80000047;
	s5 =	smul.u32 $0xC8, s5;
	s30 =	ssub.s32 s1, s6  }
0xc: {  	v0 =	vmul.u32 $0x88, v0;
	s7 =	sadd.s32 s4, s0;
	s4 =	sadd.s32 $0xF42A00, s0;
	s0 =	smax.u32 s30, $0x1  }
0xd: {  	s6 =	simm.s32 $0x2;
	s31 =	sadd.s32 $0x600, s7;
	[dreg:$0x4] =	wrdreg s0  }
0xe: {  	v1 =	vadd.s32 $0x880, v0;
	v2 =	vadd.s32 $0x1100, v0;
	v3 =	vadd.s32 $0x1980, v0;
	s1 =	simm.s32 $0x0;
	s7 =	sadd.s32 $0x4000, s2;
	[dreg:$0x3] =	wrdreg s31  }
.LBB2_1:
0xf: {  	[dreg:$0x5] =	wrdreg s1  }
0x10: {  	s0 =	rddreg [dreg:$0x3];
	s30 =	simm.s32 $0x5  }
0x11: {  	[tilespmem:s3], [sflag:$0x5] =	stream.linear.gather [hbm4b:s0+s3], $0x6400, $0x38;
	[tilespmem:$0xE800] =	vst v63  }
0x12: {  	_ =	swait.ge [sflag:s30], $0x6400  }
0x13: {  	[sflag:s30] =	ssyncset.done $0x0  }
0x14: {  	s31 =	simm.s32 $0x6400;
	s26 =	simm.s32 $0x0;
	[sflag:s30] =	ssyncadd.s32 $0xFFFF9C00  }
0x15: {  	[tilespmem:s31], [sflag:$0x1] =	stream.indirect.gather [hbm4b:s4+s16], $0x40, s3, s16, $0xb8;
	[tilespmem:$0xE800] =	vst v63  }
.LBB2_2:
0x16: {  	s28 =	sshllo.u32 s26, $0x1  }
0x17: {  	s0 =	sshll.u32 s28, $0x7  }
0x18: {  	s1 =	simm.s32 $0x8400;
	s0 =	sand.u32 $0x3FFFFF80, s0  }
0x19: {  	[tilespmem:s1], [sflag:$0x2] =	stream.indirect.gather [hbm4b:s4+s16], $0x40, s0, s16, $0xb8;
	[tilespmem:$0xE800] =	vst v63  }
0x1a: {  	_ =	swait.ge [sflag:s19], $0x2000  }
0x1b: {  	p0 =	seq.s32 s26, $0x0;
	[sflag:s19] =	ssyncset.done $0x0  }
0x1c: {  	s0 =	simm.s32 @!p0 $0x3;
	[sflag:s19] =	ssyncadd.s32 $0xFFFFE000  }
0x1d: {  	_ =	swait.ge @!p0 [sflag:s0], $0x400  }
0x1e: {  	[sflag:s0] =	ssyncset.done @!p0 $0x0  }
0x1f: {  	[sflag:s0] =	ssyncadd.s32 @!p0 $0xFFFFFC00  }
0x20: {  	_ =	swait.ge @!p0 [sflag:s0], $0x400  }
0x21: {  	[sflag:s0] =	ssyncset.done @!p0 $0x0  }
0x22: {  	[sflag:s0] =	ssyncadd.s32 @!p0 $0xFFFFFC00  }
0x23: {  	_ =	swait.ge @!p0 [sflag:s0], $0x400  }
0x24: {  	[sflag:s0] =	ssyncset.done @!p0 $0x0  }
0x25: {  	[sflag:s0] =	ssyncadd.s32 @!p0 $0xFFFFFC00  }
0x26: {  	_ =	swait.ge @!p0 [sflag:s0], $0x400  }
0x27: {  	[sflag:s0] =	ssyncset.done @!p0 $0x0  }
0x28: {  	[sflag:s0] =	ssyncadd.s32 @!p0 $0xFFFFFC00  }
0x29: {  	_ =	swait.ge @!p0 [sflag:s0], $0x400  }
0x2a: {  	[sflag:s0] =	ssyncset.done @!p0 $0x0  }
0x2b: {  	[sflag:s0] =	ssyncadd.s32 @!p0 $0xFFFFFC00  }
0x2c: {  	_ =	swait.ge @!p0 [sflag:s0], $0x400  }
0x2d: {  	[sflag:s0] =	ssyncset.done @!p0 $0x0  }
0x2e: {  	[sflag:s0] =	ssyncadd.s32 @!p0 $0xFFFFFC00  }
0x2f: {  	_ =	swait.ge @!p0 [sflag:s0], $0x400  }
0x30: {  	[sflag:s0] =	ssyncset.done @!p0 $0x0  }
0x31: {  	[sflag:s0] =	ssyncadd.s32 @!p0 $0xFFFFFC00  }
0x32: {  	s17 =	simm.s32 $0x0;
	_ =	swait.ge @!p0 [sflag:s0], $0x400  }
0x33: {  	v4 =	vmov s17;
	[sflag:s0] =	ssyncset.done @!p0 $0x0  }
0x34: {  	v8 =	vand.u32 $0x7F, v4;
	s1 =	simm.s32 $0x6420;
	[sflag:s0] =	ssyncadd.s32 @!p0 $0xFFFFFC00  }
0x35: {  	v6 =	vadd.s32 v0, v8;
	v5 =	vld [tilespmem:s1+$0xFFFFFFE0];
	_ =	sdelay $0x1  }
0x36: {  	s17 =	simm.s32 $0x1  }
0x37: {  	v4 =	vmov s17  }
0x38: {  	s29 =	simm.s32 $0x6460;
	v4 =	vand.u32 $0x7F, v4  }
0x39: {  	v7 =	vadd.s32 v0, v4;
	[tilespmem:v6+s20+$0x0] =	vst.idx.msk $0xffff, v5;
	v6 =	vld [tilespmem:s29+$0xFFFFFFE0]  }
0x3a: {  	v10 =	vadd.s32 v1, v8;
	v9 =	vld [tilespmem:s1+$0xFFFFFFF0]  }
0x3b: {  	s17 =	simm.s32 $0x2  }
0x3c: {  	v5 =	vmov s17  }
0x3d: {  	s30 =	simm.s32 $0x64A0;
	v5 =	vand.u32 $0x7F, v5  }
0x3e: {  	[tilespmem:v7+s20+$0x0] =	vst.idx.msk $0xffff, v6;
	v6 =	vld [tilespmem:s30+$0xFFFFFFE0];
	v7 =	vadd.s32 v0, v5  }
0x3f: {  	v11 =	vadd.s32 v1, v4;
	[tilespmem:v10+s20+$0x0] =	vst.idx.msk $0xffff, v9;
	v9 =	vld [tilespmem:s29+$0xFFFFFFF0]  }
0x40: {  	v14 =	vadd.s32 v2, v8;
	v12 =	vld [tilespmem:s1+$0x0]  }
0x41: {  	s17 =	simm.s32 $0x3  }
0x42: {  	v13 =	vmov s17  }
0x43: {  	s0 =	simm.s32 $0x64E0;
	[tilespmem:v7+s20+$0x0] =	vst.idx.msk $0xffff, v6;
	v6 =	vand.u32 $0x7F, v13  }
0x44: {  	v10 =	vld [tilespmem:s0+$0xFFFFFFE0];
	[tilespmem:v11+s20+$0x0] =	vst.idx.msk $0xffff, v9;
	v13 =	vadd.s32 v0, v6  }
0x45: {  	v11 =	vld [tilespmem:s30+$0xFFFFFFF0];
	[tilespmem:v14+s20+$0x0] =	vst.idx.msk $0xffff, v12;
	v14 =	vadd.s32 v1, v5  }
0x46: {  	v9 =	vld [tilespmem:s29+$0x0];
	v12 =	vadd.s32 v2, v4  }
0x47: {  	s31 =	sshll.u32 s26, $0x1;
	v8 =	vadd.s32 v3, v8;
	s17 =	simm.s32 $0x4;
	v7 =	vld [tilespmem:s1+$0x10];
	s1 =	simm.s32 $0x64E0  }
.LBB2_3:
0x48: {  	v15 =	vmov s17;
	p1 =	sne.s32 s17, $0x7F  }
.Ltmp0:
0x49: {  	s0 =	sadd.s32 $0x40, s0;
	v15 =	vand.u32 $0x7F, v15;
	[tilespmem:v13+s20+$0x0] =	vst.idx.msk $0xffff, v10;
	(pc) =	sbr.rel @p1 .LBB2_3-.Ltmp0, $4  }
0x4a: {  	v10 =	vld [tilespmem:s0+$0xFFFFFFE0];
	v13 =	vadd.s32 v0, v15;
	[tilespmem:v14+s20+$0x0] =	vst.idx.msk $0xffff, v11  }
0x4b: {  	s17 =	sadd.s32 $0x1, s17;
	v14 =	vadd.s32 v1, v6;
	v11 =	vld [tilespmem:s1+$0xFFFFFFF0];
	[tilespmem:v12+s20+$0x0] =	vst.idx.msk $0xffff, v9  }
0x4c: {  	v12 =	vadd.s32 v2, v5;
	v9 =	vld [tilespmem:s30+$0x0];
	[tilespmem:v8+s20+$0x0] =	vst.idx.msk $0xffff, v7  }
0x4d: {  	v8 =	vadd.s32 v3, v4;
	v4 =	vmovc v5;
	v5 =	vmov v6;
	v6 =	vmov v15;
	v7 =	vld [tilespmem:s29+$0x10];
	s29 =	smov.u32 s30;
	s30 =	smov.u32 s1;
	s1 =	smov.u32 s0  }
0x4e: {  	_ =	sdelay $0x3  }
0x4f: {  	[tilespmem:v13+s20+$0x0] =	vst.idx.msk $0xffff, v10  }
0x50: {  	v60 =	vadd.s32 v1, v6;
	v10 =	vld [tilespmem:s1+$0xFFFFFFF0];
	_ =	sdelay $0x3  }
0x51: {  	[tilespmem:v14+s20+$0x0] =	vst.idx.msk $0xffff, v11  }
0x52: {  	v61 =	vadd.s32 v2, v5;
	v11 =	vld [tilespmem:s30+$0x0];
	[tilespmem:v60+s20+$0x0] =	vst.idx.msk $0xffff, v10  }
0x53: {  	v62 =	vadd.s32 v2, v6;
	v10 =	vld [tilespmem:s1+$0x0];
	_ =	sdelay $0x2  }
0x54: {  	[tilespmem:v12+s20+$0x0] =	vst.idx.msk $0xffff, v9  }
0x55: {  	v4 =	vadd.s32 v3, v4;
	v9 =	vld [tilespmem:s29+$0x10];
	[tilespmem:v61+s20+$0x0] =	vst.idx.msk $0xffff, v11  }
0x56: {  	v5 =	vadd.s32 v3, v5;
	v11 =	vld [tilespmem:s30+$0x10];
	[tilespmem:v62+s20+$0x0] =	vst.idx.msk $0xffff, v10  }
0x57: {  	v63 =	vadd.s32 v3, v6;
	v10 =	vld [tilespmem:s1+$0x10];
	_ =	sdelay $0x1  }
0x58: {  	s0 =	sadd.s32 s5, s31;
	[tilespmem:v8+s20+$0x0] =	vst.idx.msk $0xffff, v7  }
0x59: {  	[tilespmem:v4+s20+$0x0] =	vst.idx.msk $0xffff, v9;
	s30 =	sshll.u32 s0, $0xA;
	s0 =	sshll.u32 s0, $0x7  }
0x5a: {  	s0 =	sand.u32 $0x3F00, s0;
	[tilespmem:v5+s20+$0x0] =	vst.idx.msk $0xffff, v11;
	s1 =	sand.u32 $0xFFE0000, s30  }
0x5b: {  	s29 =	sor.u32 s0, s1;
	[tilespmem:v63+s20+$0x0] =	vst.idx.msk $0xffff, v10  }
0x5c: {  	s0 =	sadd.s32 s2, s29;
	[bflag:$0x0] =	sbarrier.arrive $0xFFFF  }
0x5d: {  	[hbm4b:s0+s3] =	stream.linear.scatter [tilespmem:s20], [sflag:$0x3], $0x80, $0x38;
	[tilespmem:$0xE800] =	vst v63  }
0x5e: {  	s17 =	simm.s32 $0xA488;
	s31 =	sadd.s32 $0x10, s0  }
0x5f: {  	[hbm4b:s31+s3] =	stream.linear.scatter [tilespmem:s17], [sflag:$0x3], $0x80, $0x38;
	[tilespmem:$0xE800] =	vst v63  }
0x60: {  	s30 =	sadd.s32 $0x20, s0;
	s31 =	simm.s32 $0xA510  }
0x61: {  	[hbm4b:s30+s3] =	stream.linear.scatter [tilespmem:s31], [sflag:$0x3], $0x80, $0x38;
	[tilespmem:$0xE800] =	vst v63  }
0x62: {  	s30 =	sadd.s32 $0x30, s0;
	s31 =	simm.s32 $0xA598  }
0x63: {  	[hbm4b:s30+s3] =	stream.linear.scatter [tilespmem:s31], [sflag:$0x3], $0x80, $0x38;
	[tilespmem:$0xE800] =	vst v63  }
0x64: {  	s30 =	sadd.s32 $0x40, s0;
	s31 =	simm.s32 $0xA620  }
0x65: {  	[hbm4b:s30+s3] =	stream.linear.scatter [tilespmem:s31], [sflag:$0x3], $0x80, $0x38;
	[tilespmem:$0xE800] =	vst v63  }
0x66: {  	s30 =	sadd.s32 $0x50, s0;
	s31 =	simm.s32 $0xA6A8  }
0x67: {  	[hbm4b:s30+s3] =	stream.linear.scatter [tilespmem:s31], [sflag:$0x3], $0x80, $0x38;
	[tilespmem:$0xE800] =	vst v63  }
0x68: {  	s17 =	sadd.s32 $0x60, s0;
	s30 =	simm.s32 $0xA730  }
0x69: {  	[hbm4b:s17+s3] =	stream.linear.scatter [tilespmem:s30], [sflag:$0x3], $0x80, $0x38;
	[tilespmem:$0xE800] =	vst v63  }
0x6a: {  	s0 =	sadd.s32 $0x70, s0;
	s31 =	simm.s32 $0xA7B8  }
0x6b: {  	[hbm4b:s0+s3] =	stream.linear.scatter [tilespmem:s31], [sflag:$0x3], $0x80, $0x38;
	[tilespmem:$0xE800] =	vst v63  }
0x6c: {  	s17 =	simm.s32 $0xA840;
	s0 =	sadd.s32 s29, s7  }
0x6d: {  	[hbm4b:s0+s3] =	stream.linear.scatter [tilespmem:s17], [sflag:$0x3], $0x80, $0x38;
	[tilespmem:$0xE800] =	vst v63  }
0x6e: {  	s31 =	simm.s32 $0xA8C8;
	s30 =	sadd.s32 $0x10, s0  }
0x6f: {  	[hbm4b:s30+s3] =	stream.linear.scatter [tilespmem:s31], [sflag:$0x3], $0x80, $0x38;
	[tilespmem:$0xE800] =	vst v63  }
0x70: {  	s30 =	sadd.s32 $0x20, s0;
	s31 =	simm.s32 $0xA950  }
0x71: {  	[hbm4b:s30+s3] =	stream.linear.scatter [tilespmem:s31], [sflag:$0x3], $0x80, $0x38;
	[tilespmem:$0xE800] =	vst v63  }
0x72: {  	s30 =	sadd.s32 $0x30, s0;
	s31 =	simm.s32 $0xA9D8  }
0x73: {  	[hbm4b:s30+s3] =	stream.linear.scatter [tilespmem:s31], [sflag:$0x3], $0x80, $0x38;
	[tilespmem:$0xE800] =	vst v63  }
0x74: {  	s30 =	sadd.s32 $0x40, s0;
	s31 =	simm.s32 $0xAA60  }
0x75: {  	[hbm4b:s30+s3] =	stream.linear.scatter [tilespmem:s31], [sflag:$0x3], $0x80, $0x38;
	[tilespmem:$0xE800] =	vst v63  }
0x76: {  	s30 =	sadd.s32 $0x50, s0;
	s31 =	simm.s32 $0xAAE8  }
0x77: {  	[hbm4b:s30+s3] =	stream.linear.scatter [tilespmem:s31], [sflag:$0x3], $0x80, $0x38;
	[tilespmem:$0xE800] =	vst v63  }
0x78: {  	s17 =	sadd.s32 $0x60, s0;
	s30 =	simm.s32 $0xAB70  }
0x79: {  	[hbm4b:s17+s3] =	stream.linear.scatter [tilespmem:s30], [sflag:$0x3], $0x80, $0x38;
	[tilespmem:$0xE800] =	vst v63  }
0x7a: {  	s0 =	sadd.s32 $0x70, s0;
	s31 =	simm.s32 $0xABF8  }
0x7b: {  	[hbm4b:s0+s3] =	stream.linear.scatter [tilespmem:s31], [sflag:$0x3], $0x80, $0x38;
	[tilespmem:$0xE800] =	vst v63  }
0x7c: {  	s17 =	simm.s32 $0xAC80;
	s0 =	sadd.s32 s29, s8  }
0x7d: {  	[hbm4b:s0+s3] =	stream.linear.scatter [tilespmem:s17], [sflag:$0x3], $0x80, $0x38;
	[tilespmem:$0xE800] =	vst v63  }
0x7e: {  	s31 =	simm.s32 $0xAD08;
	s30 =	sadd.s32 $0x10, s0  }
0x7f: {  	[hbm4b:s30+s3] =	stream.linear.scatter [tilespmem:s31], [sflag:$0x3], $0x80, $0x38;
	[tilespmem:$0xE800] =	vst v63  }
0x80: {  	s30 =	sadd.s32 $0x20, s0;
	s31 =	simm.s32 $0xAD90  }
0x81: {  	[hbm4b:s30+s3] =	stream.linear.scatter [tilespmem:s31], [sflag:$0x3], $0x80, $0x38;
	[tilespmem:$0xE800] =	vst v63  }
0x82: {  	s30 =	sadd.s32 $0x30, s0;
	s31 =	simm.s32 $0xAE18  }
0x83: {  	[hbm4b:s30+s3] =	stream.linear.scatter [tilespmem:s31], [sflag:$0x3], $0x80, $0x38;
	[tilespmem:$0xE800] =	vst v63  }
0x84: {  	s30 =	sadd.s32 $0x40, s0;
	s31 =	simm.s32 $0xAEA0  }
0x85: {  	[hbm4b:s30+s3] =	stream.linear.scatter [tilespmem:s31], [sflag:$0x3], $0x80, $0x38;
	[tilespmem:$0xE800] =	vst v63  }
0x86: {  	s30 =	sadd.s32 $0x50, s0;
	s31 =	simm.s32 $0xAF28  }
0x87: {  	[hbm4b:s30+s3] =	stream.linear.scatter [tilespmem:s31], [sflag:$0x3], $0x80, $0x38;
	[tilespmem:$0xE800] =	vst v63  }
0x88: {  	s17 =	sadd.s32 $0x60, s0;
	s30 =	simm.s32 $0xAFB0  }
0x89: {  	[hbm4b:s17+s3] =	stream.linear.scatter [tilespmem:s30], [sflag:$0x3], $0x80, $0x38;
	[tilespmem:$0xE800] =	vst v63  }
0x8a: {  	s0 =	sadd.s32 $0x70, s0;
	s31 =	simm.s32 $0xB038  }
0x8b: {  	[hbm4b:s0+s3] =	stream.linear.scatter [tilespmem:s31], [sflag:$0x3], $0x80, $0x38;
	[tilespmem:$0xE800] =	vst v63  }
0x8c: {  	s17 =	simm.s32 $0xB0C0;
	s0 =	sadd.s32 s29, s9  }
0x8d: {  	[hbm4b:s0+s3] =	stream.linear.scatter [tilespmem:s17], [sflag:$0x3], $0x80, $0x38;
	[tilespmem:$0xE800] =	vst v63  }
0x8e: {  	s31 =	simm.s32 $0xB148;
	s30 =	sadd.s32 $0x10, s0  }
0x8f: {  	[hbm4b:s30+s3] =	stream.linear.scatter [tilespmem:s31], [sflag:$0x3], $0x80, $0x38;
	[tilespmem:$0xE800] =	vst v63  }
0x90: {  	s30 =	sadd.s32 $0x20, s0;
	s31 =	simm.s32 $0xB1D0  }
0x91: {  	[hbm4b:s30+s3] =	stream.linear.scatter [tilespmem:s31], [sflag:$0x3], $0x80, $0x38;
	[tilespmem:$0xE800] =	vst v63  }
0x92: {  	s30 =	sadd.s32 $0x30, s0;
	s31 =	simm.s32 $0xB258  }
0x93: {  	[hbm4b:s30+s3] =	stream.linear.scatter [tilespmem:s31], [sflag:$0x3], $0x80, $0x38;
	[tilespmem:$0xE800] =	vst v63  }
0x94: {  	s30 =	sadd.s32 $0x40, s0;
	s31 =	simm.s32 $0xB2E0  }
0x95: {  	[hbm4b:s30+s3] =	stream.linear.scatter [tilespmem:s31], [sflag:$0x3], $0x80, $0x38;
	[tilespmem:$0xE800] =	vst v63  }
0x96: {  	s30 =	sadd.s32 $0x50, s0;
	s31 =	simm.s32 $0xB368  }
0x97: {  	[hbm4b:s30+s3] =	stream.linear.scatter [tilespmem:s31], [sflag:$0x3], $0x80, $0x38;
	[tilespmem:$0xE800] =	vst v63  }
0x98: {  	s17 =	sadd.s32 $0x60, s0;
	s30 =	simm.s32 $0xB3F0  }
0x99: {  	[hbm4b:s17+s3] =	stream.linear.scatter [tilespmem:s30], [sflag:$0x3], $0x80, $0x38;
	[tilespmem:$0xE800] =	vst v63  }
0x9a: {  	s0 =	sadd.s32 $0x70, s0;
	s31 =	simm.s32 $0xB478  }
0x9b: {  	[hbm4b:s0+s3] =	stream.linear.scatter [tilespmem:s31], [sflag:$0x3], $0x80, $0x38;
	[tilespmem:$0xE800] =	vst v63  }
0x9c: {  	s17 =	simm.s32 $0xB500;
	s0 =	sadd.s32 s29, s10  }
0x9d: {  	[hbm4b:s0+s3] =	stream.linear.scatter [tilespmem:s17], [sflag:$0x3], $0x80, $0x38;
	[tilespmem:$0xE800] =	vst v63  }
0x9e: {  	s31 =	simm.s32 $0xB588;
	s30 =	sadd.s32 $0x10, s0  }
0x9f: {  	[hbm4b:s30+s3] =	stream.linear.scatter [tilespmem:s31], [sflag:$0x3], $0x80, $0x38;
	[tilespmem:$0xE800] =	vst v63  }
0xa0: {  	s30 =	sadd.s32 $0x20, s0;
	s31 =	simm.s32 $0xB610  }
0xa1: {  	[hbm4b:s30+s3] =	stream.linear.scatter [tilespmem:s31], [sflag:$0x3], $0x80, $0x38;
	[tilespmem:$0xE800] =	vst v63  }
0xa2: {  	s30 =	sadd.s32 $0x30, s0;
	s31 =	simm.s32 $0xB698  }
0xa3: {  	[hbm4b:s30+s3] =	stream.linear.scatter [tilespmem:s31], [sflag:$0x3], $0x80, $0x38;
	[tilespmem:$0xE800] =	vst v63  }
0xa4: {  	s30 =	sadd.s32 $0x40, s0;
	s31 =	simm.s32 $0xB720  }
0xa5: {  	[hbm4b:s30+s3] =	stream.linear.scatter [tilespmem:s31], [sflag:$0x3], $0x80, $0x38;
	[tilespmem:$0xE800] =	vst v63  }
0xa6: {  	s30 =	sadd.s32 $0x50, s0;
	s31 =	simm.s32 $0xB7A8  }
0xa7: {  	[hbm4b:s30+s3] =	stream.linear.scatter [tilespmem:s31], [sflag:$0x3], $0x80, $0x38;
	[tilespmem:$0xE800] =	vst v63  }
0xa8: {  	s17 =	sadd.s32 $0x60, s0;
	s30 =	simm.s32 $0xB830  }
0xa9: {  	[hbm4b:s17+s3] =	stream.linear.scatter [tilespmem:s30], [sflag:$0x3], $0x80, $0x38;
	[tilespmem:$0xE800] =	vst v63  }
0xaa: {  	s0 =	sadd.s32 $0x70, s0;
	s31 =	simm.s32 $0xB8B8  }
0xab: {  	[hbm4b:s0+s3] =	stream.linear.scatter [tilespmem:s31], [sflag:$0x3], $0x80, $0x38;
	[tilespmem:$0xE800] =	vst v63  }
0xac: {  	s17 =	simm.s32 $0xB940;
	s0 =	sadd.s32 s29, s11  }
0xad: {  	[hbm4b:s0+s3] =	stream.linear.scatter [tilespmem:s17], [sflag:$0x3], $0x80, $0x38;
	[tilespmem:$0xE800] =	vst v63  }
0xae: {  	s31 =	simm.s32 $0xB9C8;
	s30 =	sadd.s32 $0x10, s0  }
0xaf: {  	[hbm4b:s30+s3] =	stream.linear.scatter [tilespmem:s31], [sflag:$0x3], $0x80, $0x38;
	[tilespmem:$0xE800] =	vst v63  }
0xb0: {  	s30 =	sadd.s32 $0x20, s0;
	s31 =	simm.s32 $0xBA50  }
0xb1: {  	[hbm4b:s30+s3] =	stream.linear.scatter [tilespmem:s31], [sflag:$0x3], $0x80, $0x38;
	[tilespmem:$0xE800] =	vst v63  }
0xb2: {  	s30 =	sadd.s32 $0x30, s0;
	s31 =	simm.s32 $0xBAD8  }
0xb3: {  	[hbm4b:s30+s3] =	stream.linear.scatter [tilespmem:s31], [sflag:$0x3], $0x80, $0x38;
	[tilespmem:$0xE800] =	vst v63  }
0xb4: {  	s30 =	sadd.s32 $0x40, s0;
	s31 =	simm.s32 $0xBB60  }
0xb5: {  	[hbm4b:s30+s3] =	stream.linear.scatter [tilespmem:s31], [sflag:$0x3], $0x80, $0x38;
	[tilespmem:$0xE800] =	vst v63  }
0xb6: {  	s30 =	sadd.s32 $0x50, s0;
	s31 =	simm.s32 $0xBBE8  }
0xb7: {  	[hbm4b:s30+s3] =	stream.linear.scatter [tilespmem:s31], [sflag:$0x3], $0x80, $0x38;
	[tilespmem:$0xE800] =	vst v63  }
0xb8: {  	s17 =	sadd.s32 $0x60, s0;
	s30 =	simm.s32 $0xBC70  }
0xb9: {  	[hbm4b:s17+s3] =	stream.linear.scatter [tilespmem:s30], [sflag:$0x3], $0x80, $0x38;
	[tilespmem:$0xE800] =	vst v63  }
0xba: {  	s0 =	sadd.s32 $0x70, s0;
	s31 =	simm.s32 $0xBCF8  }
0xbb: {  	[hbm4b:s0+s3] =	stream.linear.scatter [tilespmem:s31], [sflag:$0x3], $0x80, $0x38;
	[tilespmem:$0xE800] =	vst v63  }
0xbc: {  	s17 =	simm.s32 $0xBD80;
	s0 =	sadd.s32 s29, s12  }
0xbd: {  	[hbm4b:s0+s3] =	stream.linear.scatter [tilespmem:s17], [sflag:$0x3], $0x80, $0x38;
	[tilespmem:$0xE800] =	vst v63  }
0xbe: {  	s31 =	simm.s32 $0xBE08;
	s30 =	sadd.s32 $0x10, s0  }
0xbf: {  	[hbm4b:s30+s3] =	stream.linear.scatter [tilespmem:s31], [sflag:$0x3], $0x80, $0x38;
	[tilespmem:$0xE800] =	vst v63  }
0xc0: {  	s30 =	sadd.s32 $0x20, s0;
	s31 =	simm.s32 $0xBE90  }
0xc1: {  	[hbm4b:s30+s3] =	stream.linear.scatter [tilespmem:s31], [sflag:$0x3], $0x80, $0x38;
	[tilespmem:$0xE800] =	vst v63  }
0xc2: {  	s30 =	sadd.s32 $0x30, s0;
	s31 =	simm.s32 $0xBF18  }
0xc3: {  	[hbm4b:s30+s3] =	stream.linear.scatter [tilespmem:s31], [sflag:$0x3], $0x80, $0x38;
	[tilespmem:$0xE800] =	vst v63  }
0xc4: {  	s30 =	sadd.s32 $0x40, s0;
	s31 =	simm.s32 $0xBFA0  }
0xc5: {  	[hbm4b:s30+s3] =	stream.linear.scatter [tilespmem:s31], [sflag:$0x3], $0x80, $0x38;
	[tilespmem:$0xE800] =	vst v63  }
0xc6: {  	s30 =	sadd.s32 $0x50, s0;
	s31 =	simm.s32 $0xC028  }
0xc7: {  	[hbm4b:s30+s3] =	stream.linear.scatter [tilespmem:s31], [sflag:$0x3], $0x80, $0x38;
	[tilespmem:$0xE800] =	vst v63  }
0xc8: {  	s30 =	sadd.s32 $0x60, s0;
	s31 =	simm.s32 $0xC0B0  }
0xc9: {  	[hbm4b:s30+s3] =	stream.linear.scatter [tilespmem:s31], [sflag:$0x3], $0x80, $0x38;
	[tilespmem:$0xE800] =	vst v63  }
0xca: {  	s17 =	simm.s32 $0xC138;
	s0 =	sadd.s32 $0x70, s0  }
0xcb: {  	[hbm4b:s0+s3] =	stream.linear.scatter [tilespmem:s17], [sflag:$0x3], $0x80, $0x38;
	[tilespmem:$0xE800] =	vst v63  }
0xcc: {  	s0 =	sadd.s32 s29, s13;
	s29 =	simm.s32 $0xC1C0  }
0xcd: {  	[hbm4b:s0+s3] =	stream.linear.scatter [tilespmem:s29], [sflag:$0x3], $0x80, $0x38;
	[tilespmem:$0xE800] =	vst v63  }
0xce: {  	s31 =	simm.s32 $0xC248;
	s30 =	sadd.s32 $0x10, s0  }
0xcf: {  	[hbm4b:s30+s3] =	stream.linear.scatter [tilespmem:s31], [sflag:$0x3], $0x80, $0x38;
	[tilespmem:$0xE800] =	vst v63  }
0xd0: {  	s17 =	sadd.s32 $0x20, s0;
	s29 =	simm.s32 $0xC2D0  }
0xd1: {  	[hbm4b:s17+s3] =	stream.linear.scatter [tilespmem:s29], [sflag:$0x3], $0x80, $0x38;
	[tilespmem:$0xE800] =	vst v63  }
0xd2: {  	s30 =	sadd.s32 $0x30, s0;
	s31 =	simm.s32 $0xC358  }
0xd3: {  	[hbm4b:s30+s3] =	stream.linear.scatter [tilespmem:s31], [sflag:$0x3], $0x80, $0x38;
	[tilespmem:$0xE800] =	vst v63  }
0xd4: {  	s17 =	sadd.s32 $0x40, s0;
	s29 =	simm.s32 $0xC3E0  }
0xd5: {  	[hbm4b:s17+s3] =	stream.linear.scatter [tilespmem:s29], [sflag:$0x3], $0x80, $0x38;
	[tilespmem:$0xE800] =	vst v63  }
0xd6: {  	p1 =	sne.s32 s26, $0x63;
	s30 =	sadd.s32 $0x50, s0;
	s31 =	simm.s32 $0xC468  }
0xd7: {  	[hbm4b:s30+s3] =	stream.linear.scatter [tilespmem:s31], [sflag:$0x3], $0x80, $0x38;
	[tilespmem:$0xE800] =	vst v63  }
.Ltmp1:
0xd8: {  	_ = 	snop;
	(pc) =	sbr.rel @p1 .LBB2_6-.Ltmp1, $4  }
0xd9: {  	s29 =	sadd.s32 $0x60, s0;
	s30 =	simm.s32 $0xC4F0  }
0xda: {  	[hbm4b:s29+s3] =	stream.linear.scatter [tilespmem:s30], [sflag:$0x3], $0x80, $0x38;
	[tilespmem:$0xE800] =	vst v63  }
0xdb: {  	s0 =	sadd.s32 $0x70, s0;
	s31 =	simm.s32 $0xC578  }
0xdc: {  	[hbm4b:s0+s3] =	stream.linear.scatter [tilespmem:s31], [sflag:$0x3], $0x80, $0x38;
	[tilespmem:$0xE800] =	vst v63  }
.Ltmp2:
0xdd: {  	(pc) =	sbr.rel .LBB2_7-.Ltmp2, $4  }
0xde: {  	_ = 	snop  }
0xdf: {  	_ =	swait.ge [sflag:s6], $0x2000  }
0xe0: {  	[sflag:s6] =	ssyncset.done $0x0  }
0xe1: {  	[sflag:s6] =	ssyncadd.s32 $0xFFFFE000  }
.LBB2_6:
0xe2: {  	s0 =	sshll.u32 s26, $0x8  }
0xe3: {  	s0 =	sand.u32 $0x3FFFFF00, s0  }
.Ltmp3:
0xe4: {  	s1 =	simm.s32 $0x6400;
	s0 =	sadd.s32 $0x100, s0;
	(pc) =	sbr.rel @p0 .LBB2_8-.Ltmp3, $4  }
0xe5: {  	[tilespmem:s1], [sflag:$0x1] =	stream.indirect.gather [hbm4b:s4+s16], $0x40, s0, s16, $0xb8;
	[tilespmem:$0xE800] =	vst v63  }
0xe6: {  	_ =	swait.ge [sflag:s6], $0x2000  }
0xe7: {  	[sflag:s6] =	ssyncset.done $0x0  }
0xe8: {  	[sflag:s6] =	ssyncadd.s32 $0xFFFFE000  }
.LBB2_7:
0xe9: {  	_ =	swait.ge [sflag:s14], $0x400  }
0xea: {  	[sflag:s14] =	ssyncset.done $0x0  }
0xeb: {  	[sflag:s14] =	ssyncadd.s32 $0xFFFFFC00  }
0xec: {  	_ =	swait.ge [sflag:s14], $0x400  }
0xed: {  	[sflag:s14] =	ssyncset.done $0x0  }
0xee: {  	[sflag:s14] =	ssyncadd.s32 $0xFFFFFC00  }
0xef: {  	_ =	swait.ge [sflag:s14], $0x400  }
0xf0: {  	[sflag:s14] =	ssyncset.done $0x0  }
0xf1: {  	[sflag:s14] =	ssyncadd.s32 $0xFFFFFC00  }
0xf2: {  	_ =	swait.ge [sflag:s14], $0x400  }
0xf3: {  	[sflag:s14] =	ssyncset.done $0x0  }
0xf4: {  	[sflag:s14] =	ssyncadd.s32 $0xFFFFFC00  }
0xf5: {  	_ =	swait.ge [sflag:s14], $0x400  }
0xf6: {  	[sflag:s14] =	ssyncset.done $0x0  }
0xf7: {  	[sflag:s14] =	ssyncadd.s32 $0xFFFFFC00  }
0xf8: {  	_ =	swait.ge [sflag:s14], $0x400  }
0xf9: {  	[sflag:s14] =	ssyncset.done $0x0  }
0xfa: {  	[sflag:s14] =	ssyncadd.s32 $0xFFFFFC00  }
0xfb: {  	_ =	swait.ge [sflag:s14], $0x400  }
0xfc: {  	[sflag:s14] =	ssyncset.done $0x0  }
0xfd: {  	[sflag:s14] =	ssyncadd.s32 $0xFFFFFC00  }
0xfe: {  	_ =	swait.ge [sflag:s14], $0x400  }
0xff: {  	[sflag:s14] =	ssyncset.done $0x0  }
0x100: {  	[sflag:s14] =	ssyncadd.s32 $0xFFFFFC00  }
.LBB2_8:
0x101: {  	s0 =	simm.s32 $0x0  }
0x102: {  	v4 =	vmov s0  }
0x103: {  	s1 =	simm.s32 $0x8420;
	v8 =	vand.u32 $0x7F, v4  }
0x104: {  	v5 =	vld [tilespmem:s1+$0xFFFFFFE0];
	v6 =	vadd.s32 v0, v8;
	_ =	sdelay $0x1  }
0x105: {  	s17 =	simm.s32 $0x1  }
0x106: {  	v4 =	vmov s17  }
0x107: {  	s29 =	simm.s32 $0x8460;
	v4 =	vand.u32 $0x7F, v4  }
0x108: {  	v7 =	vadd.s32 v0, v4;
	[tilespmem:v6+s15+$0x0] =	vst.idx.msk $0xffff, v5;
	v6 =	vld [tilespmem:s29+$0xFFFFFFE0]  }
0x109: {  	v10 =	vadd.s32 v1, v8;
	v9 =	vld [tilespmem:s1+$0xFFFFFFF0]  }
0x10a: {  	s31 =	simm.s32 $0x2  }
0x10b: {  	v5 =	vmov s31  }
0x10c: {  	s30 =	simm.s32 $0x84A0;
	v5 =	vand.u32 $0x7F, v5  }
0x10d: {  	[tilespmem:v7+s15+$0x0] =	vst.idx.msk $0xffff, v6;
	v6 =	vld [tilespmem:s30+$0xFFFFFFE0];
	v7 =	vadd.s32 v0, v5  }
0x10e: {  	v11 =	vadd.s32 v1, v4;
	[tilespmem:v10+s15+$0x0] =	vst.idx.msk $0xffff, v9;
	v9 =	vld [tilespmem:s29+$0xFFFFFFF0]  }
0x10f: {  	v15 =	vadd.s32 v2, v8;
	v14 =	vld [tilespmem:s1+$0x0]  }
0x110: {  	s17 =	simm.s32 $0x3  }
0x111: {  	v12 =	vmov s17  }
0x112: {  	s0 =	simm.s32 $0x84E0;
	[tilespmem:v7+s15+$0x0] =	vst.idx.msk $0xffff, v6;
	v6 =	vand.u32 $0x7F, v12  }
0x113: {  	v10 =	vld [tilespmem:s0+$0xFFFFFFE0];
	[tilespmem:v11+s15+$0x0] =	vst.idx.msk $0xffff, v9;
	v13 =	vadd.s32 v0, v6  }
0x114: {  	v12 =	vld [tilespmem:s30+$0xFFFFFFF0];
	[tilespmem:v15+s15+$0x0] =	vst.idx.msk $0xffff, v14;
	v14 =	vadd.s32 v1, v5  }
0x115: {  	v11 =	vadd.s32 v2, v4;
	v9 =	vld [tilespmem:s29+$0x0]  }
0x116: {  	s17 =	simm.s32 $0x4;
	v8 =	vadd.s32 v3, v8;
	v7 =	vld [tilespmem:s1+$0x10];
	s1 =	simm.s32 $0x84E0  }
.LBB2_9:
0x117: {  	v15 =	vmov s17;
	p0 =	sne.s32 s17, $0x7F  }
.Ltmp4:
0x118: {  	s0 =	sadd.s32 $0x40, s0;
	v15 =	vand.u32 $0x7F, v15;
	[tilespmem:v13+s15+$0x0] =	vst.idx.msk $0xffff, v10;
	(pc) =	sbr.rel @p0 .LBB2_9-.Ltmp4, $4  }
0x119: {  	v10 =	vld [tilespmem:s0+$0xFFFFFFE0];
	v13 =	vadd.s32 v0, v15;
	[tilespmem:v14+s15+$0x0] =	vst.idx.msk $0xffff, v12  }
0x11a: {  	s17 =	sadd.s32 $0x1, s17;
	v14 =	vadd.s32 v1, v6;
	v12 =	vld [tilespmem:s1+$0xFFFFFFF0];
	[tilespmem:v11+s15+$0x0] =	vst.idx.msk $0xffff, v9  }
0x11b: {  	v11 =	vadd.s32 v2, v5;
	v9 =	vld [tilespmem:s30+$0x0];
	[tilespmem:v8+s15+$0x0] =	vst.idx.msk $0xffff, v7  }
0x11c: {  	v8 =	vadd.s32 v3, v4;
	v4 =	vmovc v5;
	v5 =	vmov v6;
	v6 =	vmov v15;
	v7 =	vld [tilespmem:s29+$0x10];
	s29 =	smov.u32 s30;
	s30 =	smov.u32 s1;
	s1 =	smov.u32 s0  }
0x11d: {  	_ =	sdelay $0x3  }
0x11e: {  	[tilespmem:v13+s15+$0x0] =	vst.idx.msk $0xffff, v10  }
0x11f: {  	v59 =	vadd.s32 v1, v6;
	v10 =	vld [tilespmem:s1+$0xFFFFFFF0];
	_ =	sdelay $0x3  }
0x120: {  	[tilespmem:v14+s15+$0x0] =	vst.idx.msk $0xffff, v12  }
0x121: {  	v60 =	vadd.s32 v2, v5;
	v12 =	vld [tilespmem:s30+$0x0];
	[tilespmem:v59+s15+$0x0] =	vst.idx.msk $0xffff, v10  }
0x122: {  	v61 =	vadd.s32 v2, v6;
	v10 =	vld [tilespmem:s1+$0x0];
	_ =	sdelay $0x2  }
0x123: {  	[tilespmem:v11+s15+$0x0] =	vst.idx.msk $0xffff, v9  }
0x124: {  	v4 =	vadd.s32 v3, v4;
	v9 =	vld [tilespmem:s29+$0x10];
	[tilespmem:v60+s15+$0x0] =	vst.idx.msk $0xffff, v12  }
0x125: {  	v5 =	vadd.s32 v3, v5;
	v62 =	vld [tilespmem:s30+$0x10];
	[tilespmem:v61+s15+$0x0] =	vst.idx.msk $0xffff, v10  }
0x126: {  	v63 =	vadd.s32 v3, v6;
	v10 =	vld [tilespmem:s1+$0x10];
	_ =	sdelay $0x1  }
0x127: {  	s0 =	sadd.s32 s5, s28;
	[tilespmem:v8+s15+$0x0] =	vst.idx.msk $0xffff, v7  }
0x128: {  	s28 =	sshll.u32 s0, $0xA;
	s0 =	sshll.u32 s0, $0x7;
	[tilespmem:v4+s15+$0x0] =	vst.idx.msk $0xffff, v9  }
0x129: {  	s0 =	sand.u32 $0x3F80, s0;
	[tilespmem:v5+s15+$0x0] =	vst.idx.msk $0xffff, v62;
	s1 =	sand.u32 $0xFFE0000, s28  }
0x12a: {  	s28 =	sor.u32 s0, s1;
	[tilespmem:v63+s15+$0x0] =	vst.idx.msk $0xffff, v10  }
0x12b: {  	s0 =	sadd.s32 s2, s28;
	[bflag:$0x0] =	sbarrier.arrive $0xFFFF  }
0x12c: {  	[hbm4b:s0+s3] =	stream.linear.scatter [tilespmem:s15], [sflag:$0x4], $0x80, $0x38;
	[tilespmem:$0xE800] =	vst v63  }
0x12d: {  	s17 =	simm.s32 $0xC688;
	s29 =	sadd.s32 $0x10, s0  }
0x12e: {  	[hbm4b:s29+s3] =	stream.linear.scatter [tilespmem:s17], [sflag:$0x4], $0x80, $0x38;
	[tilespmem:$0xE800] =	vst v63  }
0x12f: {  	s31 =	simm.s32 $0xC710;
	s30 =	sadd.s32 $0x20, s0  }
0x130: {  	[hbm4b:s30+s3] =	stream.linear.scatter [tilespmem:s31], [sflag:$0x4], $0x80, $0x38;
	[tilespmem:$0xE800] =	vst v63  }
0x131: {  	s17 =	sadd.s32 $0x30, s0;
	s29 =	simm.s32 $0xC798  }
0x132: {  	[hbm4b:s17+s3] =	stream.linear.scatter [tilespmem:s29], [sflag:$0x4], $0x80, $0x38;
	[tilespmem:$0xE800] =	vst v63  }
0x133: {  	s30 =	sadd.s32 $0x40, s0;
	s31 =	simm.s32 $0xC820  }
0x134: {  	[hbm4b:s30+s3] =	stream.linear.scatter [tilespmem:s31], [sflag:$0x4], $0x80, $0x38;
	[tilespmem:$0xE800] =	vst v63  }
0x135: {  	s17 =	sadd.s32 $0x50, s0;
	s29 =	simm.s32 $0xC8A8  }
0x136: {  	[hbm4b:s17+s3] =	stream.linear.scatter [tilespmem:s29], [sflag:$0x4], $0x80, $0x38;
	[tilespmem:$0xE800] =	vst v63  }
0x137: {  	s30 =	sadd.s32 $0x60, s0;
	s31 =	simm.s32 $0xC930  }
0x138: {  	[hbm4b:s30+s3] =	stream.linear.scatter [tilespmem:s31], [sflag:$0x4], $0x80, $0x38;
	[tilespmem:$0xE800] =	vst v63  }
0x139: {  	s0 =	sadd.s32 $0x70, s0;
	s17 =	simm.s32 $0xC9B8  }
0x13a: {  	[hbm4b:s0+s3] =	stream.linear.scatter [tilespmem:s17], [sflag:$0x4], $0x80, $0x38;
	[tilespmem:$0xE800] =	vst v63  }
0x13b: {  	s29 =	simm.s32 $0xCA40;
	s0 =	sadd.s32 s28, s7  }
0x13c: {  	[hbm4b:s0+s3] =	stream.linear.scatter [tilespmem:s29], [sflag:$0x4], $0x80, $0x38;
	[tilespmem:$0xE800] =	vst v63  }
0x13d: {  	s31 =	simm.s32 $0xCAC8;
	s30 =	sadd.s32 $0x10, s0  }
0x13e: {  	[hbm4b:s30+s3] =	stream.linear.scatter [tilespmem:s31], [sflag:$0x4], $0x80, $0x38;
	[tilespmem:$0xE800] =	vst v63  }
0x13f: {  	s17 =	sadd.s32 $0x20, s0;
	s29 =	simm.s32 $0xCB50  }
0x140: {  	[hbm4b:s17+s3] =	stream.linear.scatter [tilespmem:s29], [sflag:$0x4], $0x80, $0x38;
	[tilespmem:$0xE800] =	vst v63  }
0x141: {  	s30 =	sadd.s32 $0x30, s0;
	s31 =	simm.s32 $0xCBD8  }
0x142: {  	[hbm4b:s30+s3] =	stream.linear.scatter [tilespmem:s31], [sflag:$0x4], $0x80, $0x38;
	[tilespmem:$0xE800] =	vst v63  }
0x143: {  	s17 =	sadd.s32 $0x40, s0;
	s29 =	simm.s32 $0xCC60  }
0x144: {  	[hbm4b:s17+s3] =	stream.linear.scatter [tilespmem:s29], [sflag:$0x4], $0x80, $0x38;
	[tilespmem:$0xE800] =	vst v63  }
0x145: {  	s30 =	sadd.s32 $0x50, s0;
	s31 =	simm.s32 $0xCCE8  }
0x146: {  	[hbm4b:s30+s3] =	stream.linear.scatter [tilespmem:s31], [sflag:$0x4], $0x80, $0x38;
	[tilespmem:$0xE800] =	vst v63  }
0x147: {  	s17 =	sadd.s32 $0x60, s0;
	s29 =	simm.s32 $0xCD70  }
0x148: {  	[hbm4b:s17+s3] =	stream.linear.scatter [tilespmem:s29], [sflag:$0x4], $0x80, $0x38;
	[tilespmem:$0xE800] =	vst v63  }
0x149: {  	s0 =	sadd.s32 $0x70, s0;
	s30 =	simm.s32 $0xCDF8  }
0x14a: {  	[hbm4b:s0+s3] =	stream.linear.scatter [tilespmem:s30], [sflag:$0x4], $0x80, $0x38;
	[tilespmem:$0xE800] =	vst v63  }
0x14b: {  	s31 =	simm.s32 $0xCE80;
	s0 =	sadd.s32 s28, s8  }
0x14c: {  	[hbm4b:s0+s3] =	stream.linear.scatter [tilespmem:s31], [sflag:$0x4], $0x80, $0x38;
	[tilespmem:$0xE800] =	vst v63  }
0x14d: {  	s29 =	simm.s32 $0xCF08;
	s17 =	sadd.s32 $0x10, s0  }
0x14e: {  	[hbm4b:s17+s3] =	stream.linear.scatter [tilespmem:s29], [sflag:$0x4], $0x80, $0x38;
	[tilespmem:$0xE800] =	vst v63  }
0x14f: {  	s30 =	sadd.s32 $0x20, s0;
	s31 =	simm.s32 $0xCF90  }
0x150: {  	[hbm4b:s30+s3] =	stream.linear.scatter [tilespmem:s31], [sflag:$0x4], $0x80, $0x38;
	[tilespmem:$0xE800] =	vst v63  }
0x151: {  	s17 =	sadd.s32 $0x30, s0;
	s29 =	simm.s32 $0xD018  }
0x152: {  	[hbm4b:s17+s3] =	stream.linear.scatter [tilespmem:s29], [sflag:$0x4], $0x80, $0x38;
	[tilespmem:$0xE800] =	vst v63  }
0x153: {  	s30 =	sadd.s32 $0x40, s0;
	s31 =	simm.s32 $0xD0A0  }
0x154: {  	[hbm4b:s30+s3] =	stream.linear.scatter [tilespmem:s31], [sflag:$0x4], $0x80, $0x38;
	[tilespmem:$0xE800] =	vst v63  }
0x155: {  	s17 =	sadd.s32 $0x50, s0;
	s29 =	simm.s32 $0xD128  }
0x156: {  	[hbm4b:s17+s3] =	stream.linear.scatter [tilespmem:s29], [sflag:$0x4], $0x80, $0x38;
	[tilespmem:$0xE800] =	vst v63  }
0x157: {  	s30 =	sadd.s32 $0x60, s0;
	s31 =	simm.s32 $0xD1B0  }
0x158: {  	[hbm4b:s30+s3] =	stream.linear.scatter [tilespmem:s31], [sflag:$0x4], $0x80, $0x38;
	[tilespmem:$0xE800] =	vst v63  }
0x159: {  	s0 =	sadd.s32 $0x70, s0;
	s17 =	simm.s32 $0xD238  }
0x15a: {  	[hbm4b:s0+s3] =	stream.linear.scatter [tilespmem:s17], [sflag:$0x4], $0x80, $0x38;
	[tilespmem:$0xE800] =	vst v63  }
0x15b: {  	s29 =	simm.s32 $0xD2C0;
	s0 =	sadd.s32 s28, s9  }
0x15c: {  	[hbm4b:s0+s3] =	stream.linear.scatter [tilespmem:s29], [sflag:$0x4], $0x80, $0x38;
	[tilespmem:$0xE800] =	vst v63  }
0x15d: {  	s31 =	simm.s32 $0xD348;
	s30 =	sadd.s32 $0x10, s0  }
0x15e: {  	[hbm4b:s30+s3] =	stream.linear.scatter [tilespmem:s31], [sflag:$0x4], $0x80, $0x38;
	[tilespmem:$0xE800] =	vst v63  }
0x15f: {  	s17 =	sadd.s32 $0x20, s0;
	s29 =	simm.s32 $0xD3D0  }
0x160: {  	[hbm4b:s17+s3] =	stream.linear.scatter [tilespmem:s29], [sflag:$0x4], $0x80, $0x38;
	[tilespmem:$0xE800] =	vst v63  }
0x161: {  	s30 =	sadd.s32 $0x30, s0;
	s31 =	simm.s32 $0xD458  }
0x162: {  	[hbm4b:s30+s3] =	stream.linear.scatter [tilespmem:s31], [sflag:$0x4], $0x80, $0x38;
	[tilespmem:$0xE800] =	vst v63  }
0x163: {  	s17 =	sadd.s32 $0x40, s0;
	s29 =	simm.s32 $0xD4E0  }
0x164: {  	[hbm4b:s17+s3] =	stream.linear.scatter [tilespmem:s29], [sflag:$0x4], $0x80, $0x38;
	[tilespmem:$0xE800] =	vst v63  }
0x165: {  	s30 =	sadd.s32 $0x50, s0;
	s31 =	simm.s32 $0xD568  }
0x166: {  	[hbm4b:s30+s3] =	stream.linear.scatter [tilespmem:s31], [sflag:$0x4], $0x80, $0x38;
	[tilespmem:$0xE800] =	vst v63  }
0x167: {  	s17 =	sadd.s32 $0x60, s0;
	s29 =	simm.s32 $0xD5F0  }
0x168: {  	[hbm4b:s17+s3] =	stream.linear.scatter [tilespmem:s29], [sflag:$0x4], $0x80, $0x38;
	[tilespmem:$0xE800] =	vst v63  }
0x169: {  	s0 =	sadd.s32 $0x70, s0;
	s30 =	simm.s32 $0xD678  }
0x16a: {  	[hbm4b:s0+s3] =	stream.linear.scatter [tilespmem:s30], [sflag:$0x4], $0x80, $0x38;
	[tilespmem:$0xE800] =	vst v63  }
0x16b: {  	s31 =	simm.s32 $0xD700;
	s0 =	sadd.s32 s28, s10  }
0x16c: {  	[hbm4b:s0+s3] =	stream.linear.scatter [tilespmem:s31], [sflag:$0x4], $0x80, $0x38;
	[tilespmem:$0xE800] =	vst v63  }
0x16d: {  	s29 =	simm.s32 $0xD788;
	s17 =	sadd.s32 $0x10, s0  }
0x16e: {  	[hbm4b:s17+s3] =	stream.linear.scatter [tilespmem:s29], [sflag:$0x4], $0x80, $0x38;
	[tilespmem:$0xE800] =	vst v63  }
0x16f: {  	s30 =	sadd.s32 $0x20, s0;
	s31 =	simm.s32 $0xD810  }
0x170: {  	[hbm4b:s30+s3] =	stream.linear.scatter [tilespmem:s31], [sflag:$0x4], $0x80, $0x38;
	[tilespmem:$0xE800] =	vst v63  }
0x171: {  	s17 =	sadd.s32 $0x30, s0;
	s29 =	simm.s32 $0xD898  }
0x172: {  	[hbm4b:s17+s3] =	stream.linear.scatter [tilespmem:s29], [sflag:$0x4], $0x80, $0x38;
	[tilespmem:$0xE800] =	vst v63  }
0x173: {  	s30 =	sadd.s32 $0x40, s0;
	s31 =	simm.s32 $0xD920  }
0x174: {  	[hbm4b:s30+s3] =	stream.linear.scatter [tilespmem:s31], [sflag:$0x4], $0x80, $0x38;
	[tilespmem:$0xE800] =	vst v63  }
0x175: {  	s17 =	sadd.s32 $0x50, s0;
	s29 =	simm.s32 $0xD9A8  }
0x176: {  	[hbm4b:s17+s3] =	stream.linear.scatter [tilespmem:s29], [sflag:$0x4], $0x80, $0x38;
	[tilespmem:$0xE800] =	vst v63  }
0x177: {  	s30 =	sadd.s32 $0x60, s0;
	s31 =	simm.s32 $0xDA30  }
0x178: {  	[hbm4b:s30+s3] =	stream.linear.scatter [tilespmem:s31], [sflag:$0x4], $0x80, $0x38;
	[tilespmem:$0xE800] =	vst v63  }
0x179: {  	s0 =	sadd.s32 $0x70, s0;
	s17 =	simm.s32 $0xDAB8  }
0x17a: {  	[hbm4b:s0+s3] =	stream.linear.scatter [tilespmem:s17], [sflag:$0x4], $0x80, $0x38;
	[tilespmem:$0xE800] =	vst v63  }
0x17b: {  	s29 =	simm.s32 $0xDB40;
	s0 =	sadd.s32 s28, s11  }
0x17c: {  	[hbm4b:s0+s3] =	stream.linear.scatter [tilespmem:s29], [sflag:$0x4], $0x80, $0x38;
	[tilespmem:$0xE800] =	vst v63  }
0x17d: {  	s31 =	simm.s32 $0xDBC8;
	s30 =	sadd.s32 $0x10, s0  }
0x17e: {  	[hbm4b:s30+s3] =	stream.linear.scatter [tilespmem:s31], [sflag:$0x4], $0x80, $0x38;
	[tilespmem:$0xE800] =	vst v63  }
0x17f: {  	s17 =	sadd.s32 $0x20, s0;
	s29 =	simm.s32 $0xDC50  }
0x180: {  	[hbm4b:s17+s3] =	stream.linear.scatter [tilespmem:s29], [sflag:$0x4], $0x80, $0x38;
	[tilespmem:$0xE800] =	vst v63  }
0x181: {  	s30 =	sadd.s32 $0x30, s0;
	s31 =	simm.s32 $0xDCD8  }
0x182: {  	[hbm4b:s30+s3] =	stream.linear.scatter [tilespmem:s31], [sflag:$0x4], $0x80, $0x38;
	[tilespmem:$0xE800] =	vst v63  }
0x183: {  	s17 =	sadd.s32 $0x40, s0;
	s29 =	simm.s32 $0xDD60  }
0x184: {  	[hbm4b:s17+s3] =	stream.linear.scatter [tilespmem:s29], [sflag:$0x4], $0x80, $0x38;
	[tilespmem:$0xE800] =	vst v63  }
0x185: {  	s30 =	sadd.s32 $0x50, s0;
	s31 =	simm.s32 $0xDDE8  }
0x186: {  	[hbm4b:s30+s3] =	stream.linear.scatter [tilespmem:s31], [sflag:$0x4], $0x80, $0x38;
	[tilespmem:$0xE800] =	vst v63  }
0x187: {  	s17 =	sadd.s32 $0x60, s0;
	s29 =	simm.s32 $0xDE70  }
0x188: {  	[hbm4b:s17+s3] =	stream.linear.scatter [tilespmem:s29], [sflag:$0x4], $0x80, $0x38;
	[tilespmem:$0xE800] =	vst v63  }
0x189: {  	s0 =	sadd.s32 $0x70, s0;
	s30 =	simm.s32 $0xDEF8  }
0x18a: {  	[hbm4b:s0+s3] =	stream.linear.scatter [tilespmem:s30], [sflag:$0x4], $0x80, $0x38;
	[tilespmem:$0xE800] =	vst v63  }
0x18b: {  	s31 =	simm.s32 $0xDF80;
	s0 =	sadd.s32 s28, s12  }
0x18c: {  	[hbm4b:s0+s3] =	stream.linear.scatter [tilespmem:s31], [sflag:$0x4], $0x80, $0x38;
	[tilespmem:$0xE800] =	vst v63  }
0x18d: {  	s29 =	simm.s32 $0xE008;
	s17 =	sadd.s32 $0x10, s0  }
0x18e: {  	[hbm4b:s17+s3] =	stream.linear.scatter [tilespmem:s29], [sflag:$0x4], $0x80, $0x38;
	[tilespmem:$0xE800] =	vst v63  }
0x18f: {  	s30 =	sadd.s32 $0x20, s0;
	s31 =	simm.s32 $0xE090  }
0x190: {  	[hbm4b:s30+s3] =	stream.linear.scatter [tilespmem:s31], [sflag:$0x4], $0x80, $0x38;
	[tilespmem:$0xE800] =	vst v63  }
0x191: {  	s17 =	sadd.s32 $0x30, s0;
	s29 =	simm.s32 $0xE118  }
0x192: {  	[hbm4b:s17+s3] =	stream.linear.scatter [tilespmem:s29], [sflag:$0x4], $0x80, $0x38;
	[tilespmem:$0xE800] =	vst v63  }
0x193: {  	s30 =	sadd.s32 $0x40, s0;
	s31 =	simm.s32 $0xE1A0  }
0x194: {  	[hbm4b:s30+s3] =	stream.linear.scatter [tilespmem:s31], [sflag:$0x4], $0x80, $0x38;
	[tilespmem:$0xE800] =	vst v63  }
0x195: {  	s17 =	sadd.s32 $0x50, s0;
	s29 =	simm.s32 $0xE228  }
0x196: {  	[hbm4b:s17+s3] =	stream.linear.scatter [tilespmem:s29], [sflag:$0x4], $0x80, $0x38;
	[tilespmem:$0xE800] =	vst v63  }
0x197: {  	s30 =	sadd.s32 $0x60, s0;
	s31 =	simm.s32 $0xE2B0  }
0x198: {  	[hbm4b:s30+s3] =	stream.linear.scatter [tilespmem:s31], [sflag:$0x4], $0x80, $0x38;
	[tilespmem:$0xE800] =	vst v63  }
0x199: {  	s0 =	sadd.s32 $0x70, s0;
	s17 =	simm.s32 $0xE338  }
0x19a: {  	[hbm4b:s0+s3] =	stream.linear.scatter [tilespmem:s17], [sflag:$0x4], $0x80, $0x38;
	[tilespmem:$0xE800] =	vst v63  }
0x19b: {  	s29 =	simm.s32 $0xE3C0;
	s0 =	sadd.s32 s28, s13  }
0x19c: {  	[hbm4b:s0+s3] =	stream.linear.scatter [tilespmem:s29], [sflag:$0x4], $0x80, $0x38;
	[tilespmem:$0xE800] =	vst v63  }
0x19d: {  	s31 =	simm.s32 $0xE448;
	s30 =	sadd.s32 $0x10, s0  }
0x19e: {  	[hbm4b:s30+s3] =	stream.linear.scatter [tilespmem:s31], [sflag:$0x4], $0x80, $0x38;
	[tilespmem:$0xE800] =	vst v63  }
0x19f: {  	s17 =	sadd.s32 $0x20, s0  }
0x1a0: {  	[hbm4b:s17+s3] =	stream.linear.scatter [tilespmem:s18], [sflag:$0x4], $0x80, $0x38;
	[tilespmem:$0xE800] =	vst v63  }
0x1a1: {  	s28 =	sadd.s32 $0x30, s0  }
0x1a2: {  	[hbm4b:s28+s3] =	stream.linear.scatter [tilespmem:s21], [sflag:$0x4], $0x80, $0x38;
	[tilespmem:$0xE800] =	vst v63  }
0x1a3: {  	s26 =	sadd.s32 $0x1, s26;
	s29 =	sadd.s32 $0x40, s0  }
0x1a4: {  	[hbm4b:s29+s3] =	stream.linear.scatter [tilespmem:s22], [sflag:$0x4], $0x80, $0x38;
	[tilespmem:$0xE800] =	vst v63  }
0x1a5: {  	p0 =	sne.s32 s26, $0x64;
	s30 =	sadd.s32 $0x50, s0  }
0x1a6: {  	[hbm4b:s30+s3] =	stream.linear.scatter [tilespmem:s23], [sflag:$0x4], $0x80, $0x38;
	[tilespmem:$0xE800] =	vst v63  }
.Ltmp5:
0x1a7: {  	_ = 	snop;
	(pc) =	sbr.rel @p0 .LBB2_2-.Ltmp5, $4  }
0x1a8: {  	s31 =	sadd.s32 $0x60, s0  }
0x1a9: {  	[hbm4b:s31+s3] =	stream.linear.scatter [tilespmem:s24], [sflag:$0x4], $0x80, $0x38;
	[tilespmem:$0xE800] =	vst v63  }
0x1aa: {  	s0 =	sadd.s32 $0x70, s0  }
0x1ab: {  	[hbm4b:s0+s3] =	stream.linear.scatter [tilespmem:s25], [sflag:$0x4], $0x80, $0x38;
	[tilespmem:$0xE800] =	vst v63  }
0x1ac: {  	s0 =	simm.s32 $0x3  }
0x1ad: {  	_ =	swait.ge [sflag:s0], $0x400  }
0x1ae: {  	[sflag:s0] =	ssyncset.done $0x0  }
0x1af: {  	[sflag:s0] =	ssyncadd.s32 $0xFFFFFC00  }
0x1b0: {  	_ =	swait.ge [sflag:s0], $0x400  }
0x1b1: {  	[sflag:s0] =	ssyncset.done $0x0  }
0x1b2: {  	[sflag:s0] =	ssyncadd.s32 $0xFFFFFC00  }
0x1b3: {  	_ =	swait.ge [sflag:s0], $0x400  }
0x1b4: {  	[sflag:s0] =	ssyncset.done $0x0  }
0x1b5: {  	[sflag:s0] =	ssyncadd.s32 $0xFFFFFC00  }
0x1b6: {  	_ =	swait.ge [sflag:s0], $0x400  }
0x1b7: {  	[sflag:s0] =	ssyncset.done $0x0  }
0x1b8: {  	[sflag:s0] =	ssyncadd.s32 $0xFFFFFC00  }
0x1b9: {  	_ =	swait.ge [sflag:s0], $0x400  }
0x1ba: {  	[sflag:s0] =	ssyncset.done $0x0  }
0x1bb: {  	[sflag:s0] =	ssyncadd.s32 $0xFFFFFC00  }
0x1bc: {  	_ =	swait.ge [sflag:s0], $0x400  }
0x1bd: {  	[sflag:s0] =	ssyncset.done $0x0  }
0x1be: {  	[sflag:s0] =	ssyncadd.s32 $0xFFFFFC00  }
0x1bf: {  	_ =	swait.ge [sflag:s0], $0x400  }
0x1c0: {  	[sflag:s0] =	ssyncset.done $0x0  }
0x1c1: {  	[sflag:s0] =	ssyncadd.s32 $0xFFFFFC00  }
0x1c2: {  	_ =	swait.ge [sflag:s0], $0x400  }
0x1c3: {  	[sflag:s0] =	ssyncset.done $0x0  }
0x1c4: {  	[sflag:s0] =	ssyncadd.s32 $0xFFFFFC00  }
0x1c5: {  	_ =	swait.ge [sflag:s14], $0x400  }
0x1c6: {  	[sflag:s14] =	ssyncset.done $0x0  }
0x1c7: {  	[sflag:s14] =	ssyncadd.s32 $0xFFFFFC00  }
0x1c8: {  	_ =	swait.ge [sflag:s14], $0x400  }
0x1c9: {  	[sflag:s14] =	ssyncset.done $0x0  }
0x1ca: {  	[sflag:s14] =	ssyncadd.s32 $0xFFFFFC00  }
0x1cb: {  	_ =	swait.ge [sflag:s14], $0x400  }
0x1cc: {  	[sflag:s14] =	ssyncset.done $0x0  }
0x1cd: {  	[sflag:s14] =	ssyncadd.s32 $0xFFFFFC00  }
0x1ce: {  	_ =	swait.ge [sflag:s14], $0x400  }
0x1cf: {  	[sflag:s14] =	ssyncset.done $0x0  }
0x1d0: {  	[sflag:s14] =	ssyncadd.s32 $0xFFFFFC00  }
0x1d1: {  	_ =	swait.ge [sflag:s14], $0x400  }
0x1d2: {  	[sflag:s14] =	ssyncset.done $0x0  }
0x1d3: {  	[sflag:s14] =	ssyncadd.s32 $0xFFFFFC00  }
0x1d4: {  	_ =	swait.ge [sflag:s14], $0x400  }
0x1d5: {  	[sflag:s14] =	ssyncset.done $0x0  }
0x1d6: {  	[sflag:s14] =	ssyncadd.s32 $0xFFFFFC00  }
0x1d7: {  	_ =	swait.ge [sflag:s14], $0x400  }
0x1d8: {  	[sflag:s14] =	ssyncset.done $0x0  }
0x1d9: {  	[sflag:s14] =	ssyncadd.s32 $0xFFFFFC00  }
0x1da: {  	_ =	swait.ge [sflag:s14], $0x400  }
0x1db: {  	s1 =	rddreg [dreg:$0x5]  }
0x1dc: {  	s31 =	rddreg [dreg:$0x4];
	s1 =	sadd.s32 $0x1, s1  }
0x1dd: {  	p0 =	sne.s32 s1, s31  }
.Ltmp6:
0x1de: {  	_ = 	snop;
	(pc) =	sbr.rel @p0 .LBB2_1-.Ltmp6, $3  }
0x1df: {  	_ =	sdelay $0x1  }
0x1e0: {  	[sflag:s14] =	ssyncset.done $0x0  }
0x1e1: {  	[sflag:s14] =	ssyncadd.s32 $0xFFFFFC00  }
0x1e2: {  	_ =	sfence.sel $0x180000  }
0x1e3: {  	[bflag:$0x0] =	sbarrier.arrive $0xFFFF  }
0x1e4: {  	_ =	strace $0x90000047  }
0x1e5: {  	s0 =	stileid.u32;
	[bflag:$0x2] =	sbarrier.arrive $0xFFFF  }
0x1e6: {  	p0 =	sne.s32 s0, $0x0;
	s0 =	rddreg [dreg:$0x2]  }
0x1e7: {  	s0 =	sadd.s32 @!p0 $0x100000, s0  }
0x1e8: {  	[sflag:s0] =	ssyncadd.tile.s32 @!p0 $0x1;
	_ =	shalt  }
.Lfunc_end2:
_tile_overlayer_lowered:
.L_overlay_start_2:
0x1e9: {  	(tag) =	ssettag $0x2  }
0x1ea: {  	s0 =	rddreg [dreg:$0x0];
	s2 =	stileid.u32  }
0x1eb: {  	s1 =	rddreg [dreg:$0x1];
	p0 =	sne.s32 s2, $0x0  }
0x1ec: {  	s3 =	rddreg [dreg:$0x2];
	[bflag:$0x3] =	sbarrier.arrive $0xFFFF;
	s2 =	simm.s32 @!p0 $0x1C05  }
0x1ed: {  	[timem:s3], [sflag:s2] =	dma.local @!p0 [hbm:s0], s1  }
0x1ee: {  	s0 =	simm.s32 @!p0 $0x5  }
0x1ef: {  	_ =	swait.ge @!p0 [sflag:s0], s1  }
0x1f0: {  	s1 =	ssub.s32 @!p0 $0x0, s1;
	[sflag:s0] =	ssyncset.done @!p0 $0x0  }
0x1f1: {  	[sflag:s0] =	ssyncadd.s32 @!p0 s1  }
0x1f2: {  	[bflag:$0x3] =	sbarrier.arrive $0xFFFF  }
0x1f3: {  	_ =	shalt  }

</sc_bundles>
